<compile_context>
chip_gen: v7x
topology: tpu7x:2x2x1
jax: 0.10.2.dev20260603
libtpu: 0.0.44.dev20260713+nightly
codegen_flags: <defaults>
</compile_context>

<pallas_src>
import functools

import jax
from jax import lax
import jax.numpy as jnp
from jax.experimental import pallas as pl
from jax.experimental.pallas import tpu as pltpu
from jax.experimental.pallas import tpu_sc as plsc

_ROWS = 16384
_COLS = 200

_ROWS_TC = 12288
_ROWS_SC = _ROWS - _ROWS_TC
_BM = 1024

_NC = 2
_NS = 16
_NW = _NC * _NS
_RPW = _ROWS_SC // _NW
_CR = 64
_NCHUNK = _RPW // _CR
_L = 16
_STEPS = _CR * _COLS // _L

_C1_LO = 0xED558CCD
_C1_HI = 0xFF51AFD7
_C2_LO = 0x1A85EC53
_C2_HI = 0xC4CEB9FE
_M = 999999
_R32 = 971590
_MAGIC = 1125901033
_MSHIFT = 18


def _u32(v):
    return jnp.uint32(v)


def _i32(v):
    return jnp.int32(v)


def _mul32x32_64(a, b):
    mask = _u32(0xFFFF)
    a0 = a & mask
    a1 = a >> _u32(16)
    b0 = b & mask
    b1 = b >> _u32(16)
    p00 = a0 * b0
    p01 = a0 * b1
    p10 = a1 * b0
    p11 = a1 * b1
    mid = (p00 >> _u32(16)) + (p01 & mask) + (p10 & mask)
    lo = (p00 & mask) | (mid << _u32(16))
    hi = p11 + (p01 >> _u32(16)) + (p10 >> _u32(16)) + (mid >> _u32(16))
    return lo, hi


def _umod_m(v):
    q = _mul32x32_64(v, _u32(_MAGIC))[1] >> _u32(_MSHIFT)
    return v - q * _u32(_M)


def _hash_u32(x):
    h1_lo, h = _mul32x32_64(x, _u32(_C1_LO))
    h1_hi = h + x * _u32(_C1_HI)

    h2_lo = h1_lo ^ (h1_hi >> _u32(1))
    h2_hi = h1_hi

    h3_lo, h = _mul32x32_64(h2_lo, _u32(_C2_LO))
    h3_hi = h + h2_lo * _u32(_C2_HI) + h2_hi * _u32(_C2_LO)

    h4_lo = h3_lo ^ (h3_hi >> _u32(1))
    h4_hi = h3_hi

    p_lo, p_hi = _mul32x32_64(h4_hi, _u32(_R32))
    s_lo = p_lo + h4_lo
    s_hi = p_hi + (s_lo < p_lo).astype(jnp.uint32)

    p2_lo, p2_hi = _mul32x32_64(s_hi, _u32(_R32))
    s2_lo = p2_lo + s_lo
    s2_hi = p2_hi + (s2_lo < p2_lo).astype(jnp.uint32)

    v = s2_hi * _u32(_R32) + _umod_m(s2_lo)
    r = _umod_m(v)

    return (r + _u32(1)) * (x != _u32(0)).astype(jnp.uint32)




def _tc_block(x_ref, o_ref):
    x = x_ref[...].astype(jnp.uint32)
    o_ref[...] = _hash_u32(x).astype(jnp.int32)


def _tc_hash(x32):
    return pl.pallas_call(
        _tc_block,
        grid=(_ROWS_TC // _BM,),
        in_specs=[pl.BlockSpec((_BM, _COLS), lambda i: (i, i - i))],
        out_specs=pl.BlockSpec((_BM, _COLS), lambda i: (i, i - i)),
        out_shape=jax.ShapeDtypeStruct((_ROWS_TC, _COLS), jnp.int32),
    )(x32)




def _sc_body(x_hbm, out_hbm, xv, ov):
    wid = lax.axis_index("s") * _i32(_NC) + lax.axis_index("c")
    row0 = wid * _i32(_RPW)
    iota = lax.iota(jnp.int32, _L)

    def chunk(ci, _):
        r0 = row0 + ci * _i32(_CR)
        pltpu.sync_copy(x_hbm.at[pl.ds(r0, _CR)], xv)

        def step(g, carry):
            i, j = carry
            x = plsc.bitcast(plsc.load_gather(xv, [i, j]), jnp.uint32)
            r = _hash_u32(x)
            plsc.store_scatter(ov, [i, j], plsc.bitcast(r, jnp.int32))
            j = j + _i32(_L)
            wrap = (j >= _i32(_COLS)).astype(jnp.int32)
            return (i + wrap, j - wrap * _i32(_COLS))

        lax.fori_loop(_i32(0), _i32(_STEPS), step,
                      (jnp.zeros((_L,), jnp.int32), iota))
        pltpu.sync_copy(ov, out_hbm.at[pl.ds(r0, _CR)])
        return _i32(0)

    lax.fori_loop(_i32(0), _i32(_NCHUNK), chunk, _i32(0))


_sc_hash = functools.partial(
    pl.kernel,
    out_type=jax.ShapeDtypeStruct((_ROWS_SC, _COLS), jnp.int32),
    mesh=plsc.VectorSubcoreMesh(core_axis_name="c", subcore_axis_name="s"),
    scratch_types=[
        pltpu.VMEM((_CR, _COLS), jnp.int32),
        pltpu.VMEM((_CR, _COLS), jnp.int32),
    ],
    compiler_params=pltpu.CompilerParams(needs_layout_passes=False),
)(_sc_body)


def kernel(x):
    xa = x[:_ROWS_TC]
    xb = x[_ROWS_TC:]

    ob = _sc_hash(xb.astype(jnp.int32)).astype(jnp.int64)

    oa = _tc_hash(xa.astype(jnp.int32)).astype(jnp.int64)

    return jnp.concatenate([oa, ob], axis=0)

# --- scband reference (transcript-rebuilt; emitter-appended) ---
"""Pipeline reference for scband-hash-2293512536669 (READ-ONLY COPY).

The authoritative reference and input builder live on the scoring server;
editing this copy changes nothing except your own understanding.
"""

import jax
jax.config.update('jax_enable_x64', True)
import jax.numpy as jnp
import numpy as np

NUM_BUCKETS = 1000000
MASK_ZERO = True


def setup_inputs(seed: int = 0) -> dict:
    key = jax.random.key(seed)
    x = jax.random.randint(key, (16384, 200), 0, NUM_BUCKETS, dtype=jnp.int64)
    return {"x": x}


def _hash_bucket_fast(x_u64, num_buckets):
    # Deterministic 64-bit mix (splitmix64 finalizer) standing in for
    # tf.strings.to_hash_bucket_fast's farmhash; maps ids uniformly to buckets.
    h = x_u64
    h = h ^ (h >> jnp.uint64(33))
    h = h * jnp.uint64(0xFF51AFD7ED558CCD)
    h = h ^ (h >> jnp.uint64(33))
    h = h * jnp.uint64(0xC4CEB9FE1A85EC53)
    h = h ^ (h >> jnp.uint64(33))
    return (h % jnp.uint64(num_buckets)).astype(jnp.int64)


def reference(x):
    # Faithful translation of Hash.call with vocabulary_path=None:
    #   num_buckets reduced by 1 when mask_zero; hash into [0, nb);
    #   then shift by +1 and zero-out entries where input == 0.
    nb = NUM_BUCKETS - 1 if MASK_ZERO else NUM_BUCKETS
    hash_x = _hash_bucket_fast(x.astype(jnp.uint64), nb)
    if MASK_ZERO:
        mask = (x != 0).astype(jnp.int64)
        hash_x = (hash_x + 1) * mask
    return hash_x

if __name__ == "__main__":
    import jax
    _d = setup_inputs()
    print(jax.jit(kernel)(*tuple(_d.values())))

</pallas_src>

<mosaic_0001>
#map = affine_map<(d0, d1) -> (0, 0)>
module attributes {stable_mosaic.version = 14 : i64} {
  func.func @_sc_body(%arg0: i32, %arg1: i32, %arg2: memref<4096x200xi32, #tpu.memory_space<hbm>>, %arg3: memref<4096x200xi32, #tpu.memory_space<hbm>>, %arg4: memref<64x200xi32, #tpu.memory_space<vmem>>, %arg5: memref<64x200xi32, #tpu.memory_space<vmem>>) attributes {dimension_semantics = [#tpu.dimension_semantics<core_parallel>, #tpu.dimension_semantics<subcore_parallel>], iteration_bounds = array<i64: 2, 16>, scalar_prefetch = 0 : i64, scratch_operands = 2 : i64, tpu.core_type = #tpu.core_type<sc_vector_subcore>, window_params = [{transform_indices = #map}, {transform_indices = #map}]} {
    %mul3A = arith.constant 2 : i32
    %mul3A_0 = arith.muli %arg1, %mul3A : i32
    %add3A = arith.addi %mul3A_0, %arg0 : i32
    %mul3A_1 = arith.constant 128 : i32
    %mul3A_2 = arith.muli %add3A, %mul3A_1 : i32
    %iota3A = tpu.iota {dimensions = array<i32: 0>} : vector<16xi32>
    %while3A = arith.constant 0 : i32
    %while3A_3 = arith.constant 2 : i32
    %while3A_4 = arith.constant 0 : i32
    %while3A_5 = arith.subi %while3A_3, %while3A : i32
    %while3A_6 = arith.addi %while3A, %while3A_5 : i32
    %while3A_7 = arith.constant 1 : i32
    %while3A_8 = arith.divsi %while3A_5, %while3A_7 : i32
    %while3A_9 = arith.muli %while3A_8, %while3A_7 : i32
    %while3A_10 = arith.addi %while3A, %while3A_9 : i32
    %while3A_11 = arith.constant 1 : i32
    %while3A_12 = scf.for %while3A_15 = %while3A to %while3A_10 step %while3A_11 iter_args(%while3A_16 = %while3A_4) -> (i32)  : i32 {
      %mul3A_17 = arith.constant 64 : i32
      %mul3A_18 = arith.muli %while3A_15, %mul3A_17 : i32
      %add3A_19 = arith.addi %mul3A_2, %mul3A_18 : i32
      "tpu.region"() ({
        %run_scoped3A = tpu.sem_alloc : memref<!tpu.dma_semaphore, #tpu.memory_space<semaphore_mem>>
        %dma_start3A = arith.constant 0 : i32
        %dma_start3A_34 = tpu.memref_slice %arg2[%add3A_19, %dma_start3A] : memref<4096x200xi32, #tpu.memory_space<hbm>> -> memref<64x200xi32, #tpu.memory_space<hbm>>
        %dma_start3A_35 = arith.constant 0 : i32
        %dma_start3A_36 = tpu.memref_slice %arg2[%add3A_19, %dma_start3A_35] : memref<4096x200xi32, #tpu.memory_space<hbm>> -> memref<64x200xi32, #tpu.memory_space<hbm>>
        tpu.enqueue_dma source(%dma_start3A_36 : memref<64x200xi32, #tpu.memory_space<hbm>>) target(%arg4 : memref<64x200xi32, #tpu.memory_space<vmem>>) target_semaphore(%run_scoped3A : memref<!tpu.dma_semaphore, #tpu.memory_space<semaphore_mem>>)
        %dma_wait3A = arith.constant 0 : i32
        %dma_wait3A_37 = tpu.memref_slice %arg2[%add3A_19, %dma_wait3A] : memref<4096x200xi32, #tpu.memory_space<hbm>> -> memref<64x200xi32, #tpu.memory_space<hbm>>
        %dma_wait3A_38 = arith.constant 0 : i32
        %dma_wait3A_39 = tpu.memref_slice %arg2[%add3A_19, %dma_wait3A_38] : memref<4096x200xi32, #tpu.memory_space<hbm>> -> memref<64x200xi32, #tpu.memory_space<hbm>>
        tpu.wait_dma2 semaphore(%run_scoped3A : memref<!tpu.dma_semaphore, #tpu.memory_space<semaphore_mem>>) src(%dma_wait3A_39 : memref<64x200xi32, #tpu.memory_space<hbm>>) dst(%arg4 : memref<64x200xi32, #tpu.memory_space<vmem>>)
        tpu.yield
      }) : () -> ()
      %broadcast_in_dim3A = arith.constant 0 : i32
      %broadcast_in_dim3A_20 = vector.broadcast %broadcast_in_dim3A : i32 to vector<16xi32>
      %while3A_21 = arith.constant 0 : i32
      %while3A_22 = arith.constant 800 : i32
      %while3A_23 = arith.subi %while3A_22, %while3A_21 : i32
      %while3A_24 = arith.addi %while3A_21, %while3A_23 : i32
      %while3A_25 = arith.constant 1 : i32
      %while3A_26 = arith.divsi %while3A_23, %while3A_25 : i32
      %while3A_27 = arith.muli %while3A_26, %while3A_25 : i32
      %while3A_28 = arith.addi %while3A_21, %while3A_27 : i32
      %while3A_29 = arith.constant 1 : i32
      %while3A_30:2 = scf.for %while3A_34 = %while3A_21 to %while3A_28 step %while3A_29 iter_args(%while3A_35 = %broadcast_in_dim3A_20, %while3A_36 = %iota3A) -> (vector<16xi32>, vector<16xi32>)  : i32 {
        %gather3A = tpu.vector_load_idx %arg4[%while3A_35, %while3A_36] : memref<64x200xi32, #tpu.memory_space<vmem>>[vector<16xi32>, vector<16xi32>], vector<16xi32>,
        %bitcast3A = vector.bitcast %gather3A : vector<16xi32> to vector<16xi32>
        %and3A = arith.constant 65535 : i32
        %and3A_37 = vector.broadcast %and3A : i32 to vector<16xi32>
        %and3A_38 = arith.andi %bitcast3A, %and3A_37 : vector<16xi32>
        %shift_right_logical3A = arith.constant 16 : i32
        %shift_right_logical3A_39 = vector.broadcast %shift_right_logical3A : i32 to vector<16xi32>
        %shift_right_logical3A_40 = arith.shrui %bitcast3A, %shift_right_logical3A_39 : vector<16xi32>
        %and3A_41 = arith.constant -313160499 : i32
        %and3A_42 = arith.constant 65535 : i32
        %and3A_43 = arith.andi %and3A_41, %and3A_42 : i32
        %shift_right_logical3A_44 = arith.constant -313160499 : i32
        %shift_right_logical3A_45 = arith.constant 16 : i32
        %shift_right_logical3A_46 = arith.shrui %shift_right_logical3A_44, %shift_right_logical3A_45 : i32
        %mul3A_47 = vector.broadcast %and3A_43 : i32 to vector<16xi32>
        %mul3A_48 = arith.muli %and3A_38, %mul3A_47 : vector<16xi32>
        %mul3A_49 = vector.broadcast %shift_right_logical3A_46 : i32 to vector<16xi32>
        %mul3A_50 = arith.muli %and3A_38, %mul3A_49 : vector<16xi32>
        %mul3A_51 = vector.broadcast %and3A_43 : i32 to vector<16xi32>
        %mul3A_52 = arith.muli %shift_right_logical3A_40, %mul3A_51 : vector<16xi32>
        %mul3A_53 = vector.broadcast %shift_right_logical3A_46 : i32 to vector<16xi32>
        %mul3A_54 = arith.muli %shift_right_logical3A_40, %mul3A_53 : vector<16xi32>
        %shift_right_logical3A_55 = arith.constant 16 : i32
        %shift_right_logical3A_56 = vector.broadcast %shift_right_logical3A_55 : i32 to vector<16xi32>
        %shift_right_logical3A_57 = arith.shrui %mul3A_48, %shift_right_logical3A_56 : vector<16xi32>
        %and3A_58 = arith.constant 65535 : i32
        %and3A_59 = vector.broadcast %and3A_58 : i32 to vector<16xi32>
        %and3A_60 = arith.andi %mul3A_50, %and3A_59 : vector<16xi32>
        %add3A_61 = arith.addi %shift_right_logical3A_57, %and3A_60 : vector<16xi32>
        %and3A_62 = arith.constant 65535 : i32
        %and3A_63 = vector.broadcast %and3A_62 : i32 to vector<16xi32>
        %and3A_64 = arith.andi %mul3A_52, %and3A_63 : vector<16xi32>
        %add3A_65 = arith.addi %add3A_61, %and3A_64 : vector<16xi32>
        %and3A_66 = arith.constant 65535 : i32
        %and3A_67 = vector.broadcast %and3A_66 : i32 to vector<16xi32>
        %and3A_68 = arith.andi %mul3A_48, %and3A_67 : vector<16xi32>
        %shift_left3A = arith.constant 16 : i32
        %shift_left3A_69 = vector.broadcast %shift_left3A : i32 to vector<16xi32>
        %shift_left3A_70 = arith.shli %add3A_65, %shift_left3A_69 : vector<16xi32>
        %or3A = arith.ori %and3A_68, %shift_left3A_70 : vector<16xi32>
        %shift_right_logical3A_71 = arith.constant 16 : i32
        %shift_right_logical3A_72 = vector.broadcast %shift_right_logical3A_71 : i32 to vector<16xi32>
        %shift_right_logical3A_73 = arith.shrui %mul3A_50, %shift_right_logical3A_72 : vector<16xi32>
        %add3A_74 = arith.addi %mul3A_54, %shift_right_logical3A_73 : vector<16xi32>
        %shift_right_logical3A_75 = arith.constant 16 : i32
        %shift_right_logical3A_76 = vector.broadcast %shift_right_logical3A_75 : i32 to vector<16xi32>
        %shift_right_logical3A_77 = arith.shrui %mul3A_52, %shift_right_logical3A_76 : vector<16xi32>
        %add3A_78 = arith.addi %add3A_74, %shift_right_logical3A_77 : vector<16xi32>
        %shift_right_logical3A_79 = arith.constant 16 : i32
        %shift_right_logical3A_80 = vector.broadcast %shift_right_logical3A_79 : i32 to vector<16xi32>
        %shift_right_logical3A_81 = arith.shrui %add3A_65, %shift_right_logical3A_80 : vector<16xi32>
        %add3A_82 = arith.addi %add3A_78, %shift_right_logical3A_81 : vector<16xi32>
        %mul3A_83 = arith.constant -11423785 : i32
        %mul3A_84 = vector.broadcast %mul3A_83 : i32 to vector<16xi32>
        %mul3A_85 = arith.muli %bitcast3A, %mul3A_84 : vector<16xi32>
        %add3A_86 = arith.addi %add3A_82, %mul3A_85 : vector<16xi32>
        %shift_right_logical3A_87 = arith.constant 1 : i32
        %shift_right_logical3A_88 = vector.broadcast %shift_right_logical3A_87 : i32 to vector<16xi32>
        %shift_right_logical3A_89 = arith.shrui %add3A_86, %shift_right_logical3A_88 : vector<16xi32>
        %xor3A = arith.xori %or3A, %shift_right_logical3A_89 : vector<16xi32>
        %and3A_90 = arith.constant 65535 : i32
        %and3A_91 = vector.broadcast %and3A_90 : i32 to vector<16xi32>
        %and3A_92 = arith.andi %xor3A, %and3A_91 : vector<16xi32>
        %shift_right_logical3A_93 = arith.constant 16 : i32
        %shift_right_logical3A_94 = vector.broadcast %shift_right_logical3A_93 : i32 to vector<16xi32>
        %shift_right_logical3A_95 = arith.shrui %xor3A, %shift_right_logical3A_94 : vector<16xi32>
        %and3A_96 = arith.constant 444984403 : i32
        %and3A_97 = arith.constant 65535 : i32
        %and3A_98 = arith.andi %and3A_96, %and3A_97 : i32
        %shift_right_logical3A_99 = arith.constant 444984403 : i32
        %shift_right_logical3A_100 = arith.constant 16 : i32
        %shift_right_logical3A_101 = arith.shrui %shift_right_logical3A_99, %shift_right_logical3A_100 : i32
        %mul3A_102 = vector.broadcast %and3A_98 : i32 to vector<16xi32>
        %mul3A_103 = arith.muli %and3A_92, %mul3A_102 : vector<16xi32>
        %mul3A_104 = vector.broadcast %shift_right_logical3A_101 : i32 to vector<16xi32>
        %mul3A_105 = arith.muli %and3A_92, %mul3A_104 : vector<16xi32>
        %mul3A_106 = vector.broadcast %and3A_98 : i32 to vector<16xi32>
        %mul3A_107 = arith.muli %shift_right_logical3A_95, %mul3A_106 : vector<16xi32>
        %mul3A_108 = vector.broadcast %shift_right_logical3A_101 : i32 to vector<16xi32>
        %mul3A_109 = arith.muli %shift_right_logical3A_95, %mul3A_108 : vector<16xi32>
        %shift_right_logical3A_110 = arith.constant 16 : i32
        %shift_right_logical3A_111 = vector.broadcast %shift_right_logical3A_110 : i32 to vector<16xi32>
        %shift_right_logical3A_112 = arith.shrui %mul3A_103, %shift_right_logical3A_111 : vector<16xi32>
        %and3A_113 = arith.constant 65535 : i32
        %and3A_114 = vector.broadcast %and3A_113 : i32 to vector<16xi32>
        %and3A_115 = arith.andi %mul3A_105, %and3A_114 : vector<16xi32>
        %add3A_116 = arith.addi %shift_right_logical3A_112, %and3A_115 : vector<16xi32>
        %and3A_117 = arith.constant 65535 : i32
        %and3A_118 = vector.broadcast %and3A_117 : i32 to vector<16xi32>
        %and3A_119 = arith.andi %mul3A_107, %and3A_118 : vector<16xi32>
        %add3A_120 = arith.addi %add3A_116, %and3A_119 : vector<16xi32>
        %and3A_121 = arith.constant 65535 : i32
        %and3A_122 = vector.broadcast %and3A_121 : i32 to vector<16xi32>
        %and3A_123 = arith.andi %mul3A_103, %and3A_122 : vector<16xi32>
        %shift_left3A_124 = arith.constant 16 : i32
        %shift_left3A_125 = vector.broadcast %shift_left3A_124 : i32 to vector<16xi32>
        %shift_left3A_126 = arith.shli %add3A_120, %shift_left3A_125 : vector<16xi32>
        %or3A_127 = arith.ori %and3A_123, %shift_left3A_126 : vector<16xi32>
        %shift_right_logical3A_128 = arith.constant 16 : i32
        %shift_right_logical3A_129 = vector.broadcast %shift_right_logical3A_128 : i32 to vector<16xi32>
        %shift_right_logical3A_130 = arith.shrui %mul3A_105, %shift_right_logical3A_129 : vector<16xi32>
        %add3A_131 = arith.addi %mul3A_109, %shift_right_logical3A_130 : vector<16xi32>
        %shift_right_logical3A_132 = arith.constant 16 : i32
        %shift_right_logical3A_133 = vector.broadcast %shift_right_logical3A_132 : i32 to vector<16xi32>
        %shift_right_logical3A_134 = arith.shrui %mul3A_107, %shift_right_logical3A_133 : vector<16xi32>
        %add3A_135 = arith.addi %add3A_131, %shift_right_logical3A_134 : vector<16xi32>
        %shift_right_logical3A_136 = arith.constant 16 : i32
        %shift_right_logical3A_137 = vector.broadcast %shift_right_logical3A_136 : i32 to vector<16xi32>
        %shift_right_logical3A_138 = arith.shrui %add3A_120, %shift_right_logical3A_137 : vector<16xi32>
        %add3A_139 = arith.addi %add3A_135, %shift_right_logical3A_138 : vector<16xi32>
        %mul3A_140 = arith.constant -993084930 : i32
        %mul3A_141 = vector.broadcast %mul3A_140 : i32 to vector<16xi32>
        %mul3A_142 = arith.muli %xor3A, %mul3A_141 : vector<16xi32>
        %add3A_143 = arith.addi %add3A_139, %mul3A_142 : vector<16xi32>
        %mul3A_144 = arith.constant 444984403 : i32
        %mul3A_145 = vector.broadcast %mul3A_144 : i32 to vector<16xi32>
        %mul3A_146 = arith.muli %add3A_86, %mul3A_145 : vector<16xi32>
        %add3A_147 = arith.addi %add3A_143, %mul3A_146 : vector<16xi32>
        %shift_right_logical3A_148 = arith.constant 1 : i32
        %shift_right_logical3A_149 = vector.broadcast %shift_right_logical3A_148 : i32 to vector<16xi32>
        %shift_right_logical3A_150 = arith.shrui %add3A_147, %shift_right_logical3A_149 : vector<16xi32>
        %xor3A_151 = arith.xori %or3A_127, %shift_right_logical3A_150 : vector<16xi32>
        %and3A_152 = arith.constant 65535 : i32
        %and3A_153 = vector.broadcast %and3A_152 : i32 to vector<16xi32>
        %and3A_154 = arith.andi %add3A_147, %and3A_153 : vector<16xi32>
        %shift_right_logical3A_155 = arith.constant 16 : i32
        %shift_right_logical3A_156 = vector.broadcast %shift_right_logical3A_155 : i32 to vector<16xi32>
        %shift_right_logical3A_157 = arith.shrui %add3A_147, %shift_right_logical3A_156 : vector<16xi32>
        %and3A_158 = arith.constant 971590 : i32
        %and3A_159 = arith.constant 65535 : i32
        %and3A_160 = arith.andi %and3A_158, %and3A_159 : i32
        %shift_right_logical3A_161 = arith.constant 971590 : i32
        %shift_right_logical3A_162 = arith.constant 16 : i32
        %shift_right_logical3A_163 = arith.shrui %shift_right_logical3A_161, %shift_right_logical3A_162 : i32
        %mul3A_164 = vector.broadcast %and3A_160 : i32 to vector<16xi32>
        %mul3A_165 = arith.muli %and3A_154, %mul3A_164 : vector<16xi32>
        %mul3A_166 = vector.broadcast %shift_right_logical3A_163 : i32 to vector<16xi32>
        %mul3A_167 = arith.muli %and3A_154, %mul3A_166 : vector<16xi32>
        %mul3A_168 = vector.broadcast %and3A_160 : i32 to vector<16xi32>
        %mul3A_169 = arith.muli %shift_right_logical3A_157, %mul3A_168 : vector<16xi32>
        %mul3A_170 = vector.broadcast %shift_right_logical3A_163 : i32 to vector<16xi32>
        %mul3A_171 = arith.muli %shift_right_logical3A_157, %mul3A_170 : vector<16xi32>
        %shift_right_logical3A_172 = arith.constant 16 : i32
        %shift_right_logical3A_173 = vector.broadcast %shift_right_logical3A_172 : i32 to vector<16xi32>
        %shift_right_logical3A_174 = arith.shrui %mul3A_165, %shift_right_logical3A_173 : vector<16xi32>
        %and3A_175 = arith.constant 65535 : i32
        %and3A_176 = vector.broadcast %and3A_175 : i32 to vector<16xi32>
        %and3A_177 = arith.andi %mul3A_167, %and3A_176 : vector<16xi32>
        %add3A_178 = arith.addi %shift_right_logical3A_174, %and3A_177 : vector<16xi32>
        %and3A_179 = arith.constant 65535 : i32
        %and3A_180 = vector.broadcast %and3A_179 : i32 to vector<16xi32>
        %and3A_181 = arith.andi %mul3A_169, %and3A_180 : vector<16xi32>
        %add3A_182 = arith.addi %add3A_178, %and3A_181 : vector<16xi32>
        %and3A_183 = arith.constant 65535 : i32
        %and3A_184 = vector.broadcast %and3A_183 : i32 to vector<16xi32>
        %and3A_185 = arith.andi %mul3A_165, %and3A_184 : vector<16xi32>
        %shift_left3A_186 = arith.constant 16 : i32
        %shift_left3A_187 = vector.broadcast %shift_left3A_186 : i32 to vector<16xi32>
        %shift_left3A_188 = arith.shli %add3A_182, %shift_left3A_187 : vector<16xi32>
        %or3A_189 = arith.ori %and3A_185, %shift_left3A_188 : vector<16xi32>
        %shift_right_logical3A_190 = arith.constant 16 : i32
        %shift_right_logical3A_191 = vector.broadcast %shift_right_logical3A_190 : i32 to vector<16xi32>
        %shift_right_logical3A_192 = arith.shrui %mul3A_167, %shift_right_logical3A_191 : vector<16xi32>
        %add3A_193 = arith.addi %mul3A_171, %shift_right_logical3A_192 : vector<16xi32>
        %shift_right_logical3A_194 = arith.constant 16 : i32
        %shift_right_logical3A_195 = vector.broadcast %shift_right_logical3A_194 : i32 to vector<16xi32>
        %shift_right_logical3A_196 = arith.shrui %mul3A_169, %shift_right_logical3A_195 : vector<16xi32>
        %add3A_197 = arith.addi %add3A_193, %shift_right_logical3A_196 : vector<16xi32>
        %shift_right_logical3A_198 = arith.constant 16 : i32
        %shift_right_logical3A_199 = vector.broadcast %shift_right_logical3A_198 : i32 to vector<16xi32>
        %shift_right_logical3A_200 = arith.shrui %add3A_182, %shift_right_logical3A_199 : vector<16xi32>
        %add3A_201 = arith.addi %add3A_197, %shift_right_logical3A_200 : vector<16xi32>
        %add3A_202 = arith.addi %or3A_189, %xor3A_151 : vector<16xi32>
        %lt3A = arith.cmpi ult, %add3A_202, %or3A_189 : vector<16xi32>
        %convert_element_type3A = arith.extui %lt3A : vector<16xi1> to vector<16xi32>
        %add3A_203 = arith.addi %add3A_201, %convert_element_type3A : vector<16xi32>
        %and3A_204 = arith.constant 65535 : i32
        %and3A_205 = vector.broadcast %and3A_204 : i32 to vector<16xi32>
        %and3A_206 = arith.andi %add3A_203, %and3A_205 : vector<16xi32>
        %shift_right_logical3A_207 = arith.constant 16 : i32
        %shift_right_logical3A_208 = vector.broadcast %shift_right_logical3A_207 : i32 to vector<16xi32>
        %shift_right_logical3A_209 = arith.shrui %add3A_203, %shift_right_logical3A_208 : vector<16xi32>
        %and3A_210 = arith.constant 971590 : i32
        %and3A_211 = arith.constant 65535 : i32
        %and3A_212 = arith.andi %and3A_210, %and3A_211 : i32
        %shift_right_logical3A_213 = arith.constant 971590 : i32
        %shift_right_logical3A_214 = arith.constant 16 : i32
        %shift_right_logical3A_215 = arith.shrui %shift_right_logical3A_213, %shift_right_logical3A_214 : i32
        %mul3A_216 = vector.broadcast %and3A_212 : i32 to vector<16xi32>
        %mul3A_217 = arith.muli %and3A_206, %mul3A_216 : vector<16xi32>
        %mul3A_218 = vector.broadcast %shift_right_logical3A_215 : i32 to vector<16xi32>
        %mul3A_219 = arith.muli %and3A_206, %mul3A_218 : vector<16xi32>
        %mul3A_220 = vector.broadcast %and3A_212 : i32 to vector<16xi32>
        %mul3A_221 = arith.muli %shift_right_logical3A_209, %mul3A_220 : vector<16xi32>
        %mul3A_222 = vector.broadcast %shift_right_logical3A_215 : i32 to vector<16xi32>
        %mul3A_223 = arith.muli %shift_right_logical3A_209, %mul3A_222 : vector<16xi32>
        %shift_right_logical3A_224 = arith.constant 16 : i32
        %shift_right_logical3A_225 = vector.broadcast %shift_right_logical3A_224 : i32 to vector<16xi32>
        %shift_right_logical3A_226 = arith.shrui %mul3A_217, %shift_right_logical3A_225 : vector<16xi32>
        %and3A_227 = arith.constant 65535 : i32
        %and3A_228 = vector.broadcast %and3A_227 : i32 to vector<16xi32>
        %and3A_229 = arith.andi %mul3A_219, %and3A_228 : vector<16xi32>
        %add3A_230 = arith.addi %shift_right_logical3A_226, %and3A_229 : vector<16xi32>
        %and3A_231 = arith.constant 65535 : i32
        %and3A_232 = vector.broadcast %and3A_231 : i32 to vector<16xi32>
        %and3A_233 = arith.andi %mul3A_221, %and3A_232 : vector<16xi32>
        %add3A_234 = arith.addi %add3A_230, %and3A_233 : vector<16xi32>
        %and3A_235 = arith.constant 65535 : i32
        %and3A_236 = vector.broadcast %and3A_235 : i32 to vector<16xi32>
        %and3A_237 = arith.andi %mul3A_217, %and3A_236 : vector<16xi32>
        %shift_left3A_238 = arith.constant 16 : i32
        %shift_left3A_239 = vector.broadcast %shift_left3A_238 : i32 to vector<16xi32>
        %shift_left3A_240 = arith.shli %add3A_234, %shift_left3A_239 : vector<16xi32>
        %or3A_241 = arith.ori %and3A_237, %shift_left3A_240 : vector<16xi32>
        %shift_right_logical3A_242 = arith.constant 16 : i32
        %shift_right_logical3A_243 = vector.broadcast %shift_right_logical3A_242 : i32 to vector<16xi32>
        %shift_right_logical3A_244 = arith.shrui %mul3A_219, %shift_right_logical3A_243 : vector<16xi32>
        %add3A_245 = arith.addi %mul3A_223, %shift_right_logical3A_244 : vector<16xi32>
        %shift_right_logical3A_246 = arith.constant 16 : i32
        %shift_right_logical3A_247 = vector.broadcast %shift_right_logical3A_246 : i32 to vector<16xi32>
        %shift_right_logical3A_248 = arith.shrui %mul3A_221, %shift_right_logical3A_247 : vector<16xi32>
        %add3A_249 = arith.addi %add3A_245, %shift_right_logical3A_248 : vector<16xi32>
        %shift_right_logical3A_250 = arith.constant 16 : i32
        %shift_right_logical3A_251 = vector.broadcast %shift_right_logical3A_250 : i32 to vector<16xi32>
        %shift_right_logical3A_252 = arith.shrui %add3A_234, %shift_right_logical3A_251 : vector<16xi32>
        %add3A_253 = arith.addi %add3A_249, %shift_right_logical3A_252 : vector<16xi32>
        %add3A_254 = arith.addi %or3A_241, %add3A_202 : vector<16xi32>
        %lt3A_255 = arith.cmpi ult, %add3A_254, %or3A_241 : vector<16xi32>
        %convert_element_type3A_256 = arith.extui %lt3A_255 : vector<16xi1> to vector<16xi32>
        %add3A_257 = arith.addi %add3A_253, %convert_element_type3A_256 : vector<16xi32>
        %mul3A_258 = arith.constant 971590 : i32
        %mul3A_259 = vector.broadcast %mul3A_258 : i32 to vector<16xi32>
        %mul3A_260 = arith.muli %add3A_257, %mul3A_259 : vector<16xi32>
        %and3A_261 = arith.constant 65535 : i32
        %and3A_262 = vector.broadcast %and3A_261 : i32 to vector<16xi32>
        %and3A_263 = arith.andi %add3A_254, %and3A_262 : vector<16xi32>
        %shift_right_logical3A_264 = arith.constant 16 : i32
        %shift_right_logical3A_265 = vector.broadcast %shift_right_logical3A_264 : i32 to vector<16xi32>
        %shift_right_logical3A_266 = arith.shrui %add3A_254, %shift_right_logical3A_265 : vector<16xi32>
        %and3A_267 = arith.constant 1125901033 : i32
        %and3A_268 = arith.constant 65535 : i32
        %and3A_269 = arith.andi %and3A_267, %and3A_268 : i32
        %shift_right_logical3A_270 = arith.constant 1125901033 : i32
        %shift_right_logical3A_271 = arith.constant 16 : i32
        %shift_right_logical3A_272 = arith.shrui %shift_right_logical3A_270, %shift_right_logical3A_271 : i32
        %mul3A_273 = vector.broadcast %and3A_269 : i32 to vector<16xi32>
        %mul3A_274 = arith.muli %and3A_263, %mul3A_273 : vector<16xi32>
        %mul3A_275 = vector.broadcast %shift_right_logical3A_272 : i32 to vector<16xi32>
        %mul3A_276 = arith.muli %and3A_263, %mul3A_275 : vector<16xi32>
        %mul3A_277 = vector.broadcast %and3A_269 : i32 to vector<16xi32>
        %mul3A_278 = arith.muli %shift_right_logical3A_266, %mul3A_277 : vector<16xi32>
        %mul3A_279 = vector.broadcast %shift_right_logical3A_272 : i32 to vector<16xi32>
        %mul3A_280 = arith.muli %shift_right_logical3A_266, %mul3A_279 : vector<16xi32>
        %shift_right_logical3A_281 = arith.constant 16 : i32
        %shift_right_logical3A_282 = vector.broadcast %shift_right_logical3A_281 : i32 to vector<16xi32>
        %shift_right_logical3A_283 = arith.shrui %mul3A_274, %shift_right_logical3A_282 : vector<16xi32>
        %and3A_284 = arith.constant 65535 : i32
        %and3A_285 = vector.broadcast %and3A_284 : i32 to vector<16xi32>
        %and3A_286 = arith.andi %mul3A_276, %and3A_285 : vector<16xi32>
        %add3A_287 = arith.addi %shift_right_logical3A_283, %and3A_286 : vector<16xi32>
        %and3A_288 = arith.constant 65535 : i32
        %and3A_289 = vector.broadcast %and3A_288 : i32 to vector<16xi32>
        %and3A_290 = arith.andi %mul3A_278, %and3A_289 : vector<16xi32>
        %add3A_291 = arith.addi %add3A_287, %and3A_290 : vector<16xi32>
        %and3A_292 = arith.constant 65535 : i32
        %and3A_293 = vector.broadcast %and3A_292 : i32 to vector<16xi32>
        %and3A_294 = arith.andi %mul3A_274, %and3A_293 : vector<16xi32>
        %shift_left3A_295 = arith.constant 16 : i32
        %shift_left3A_296 = vector.broadcast %shift_left3A_295 : i32 to vector<16xi32>
        %shift_left3A_297 = arith.shli %add3A_291, %shift_left3A_296 : vector<16xi32>
        %or3A_298 = arith.ori %and3A_294, %shift_left3A_297 : vector<16xi32>
        %shift_right_logical3A_299 = arith.constant 16 : i32
        %shift_right_logical3A_300 = vector.broadcast %shift_right_logical3A_299 : i32 to vector<16xi32>
        %shift_right_logical3A_301 = arith.shrui %mul3A_276, %shift_right_logical3A_300 : vector<16xi32>
        %add3A_302 = arith.addi %mul3A_280, %shift_right_logical3A_301 : vector<16xi32>
        %shift_right_logical3A_303 = arith.constant 16 : i32
        %shift_right_logical3A_304 = vector.broadcast %shift_right_logical3A_303 : i32 to vector<16xi32>
        %shift_right_logical3A_305 = arith.shrui %mul3A_278, %shift_right_logical3A_304 : vector<16xi32>
        %add3A_306 = arith.addi %add3A_302, %shift_right_logical3A_305 : vector<16xi32>
        %shift_right_logical3A_307 = arith.constant 16 : i32
        %shift_right_logical3A_308 = vector.broadcast %shift_right_logical3A_307 : i32 to vector<16xi32>
        %shift_right_logical3A_309 = arith.shrui %add3A_291, %shift_right_logical3A_308 : vector<16xi32>
        %add3A_310 = arith.addi %add3A_306, %shift_right_logical3A_309 : vector<16xi32>
        %shift_right_logical3A_311 = arith.constant 18 : i32
        %shift_right_logical3A_312 = vector.broadcast %shift_right_logical3A_311 : i32 to vector<16xi32>
        %shift_right_logical3A_313 = arith.shrui %add3A_310, %shift_right_logical3A_312 : vector<16xi32>
        %mul3A_314 = arith.constant 999999 : i32
        %mul3A_315 = vector.broadcast %mul3A_314 : i32 to vector<16xi32>
        %mul3A_316 = arith.muli %shift_right_logical3A_313, %mul3A_315 : vector<16xi32>
        %sub3A = arith.subi %add3A_254, %mul3A_316 : vector<16xi32>
        %add3A_317 = arith.addi %mul3A_260, %sub3A : vector<16xi32>
        %and3A_318 = arith.constant 65535 : i32
        %and3A_319 = vector.broadcast %and3A_318 : i32 to vector<16xi32>
        %and3A_320 = arith.andi %add3A_317, %and3A_319 : vector<16xi32>
        %shift_right_logical3A_321 = arith.constant 16 : i32
        %shift_right_logical3A_322 = vector.broadcast %shift_right_logical3A_321 : i32 to vector<16xi32>
        %shift_right_logical3A_323 = arith.shrui %add3A_317, %shift_right_logical3A_322 : vector<16xi32>
        %and3A_324 = arith.constant 1125901033 : i32
        %and3A_325 = arith.constant 65535 : i32
        %and3A_326 = arith.andi %and3A_324, %and3A_325 : i32
        %shift_right_logical3A_327 = arith.constant 1125901033 : i32
        %shift_right_logical3A_328 = arith.constant 16 : i32
        %shift_right_logical3A_329 = arith.shrui %shift_right_logical3A_327, %shift_right_logical3A_328 : i32
        %mul3A_330 = vector.broadcast %and3A_326 : i32 to vector<16xi32>
        %mul3A_331 = arith.muli %and3A_320, %mul3A_330 : vector<16xi32>
        %mul3A_332 = vector.broadcast %shift_right_logical3A_329 : i32 to vector<16xi32>
        %mul3A_333 = arith.muli %and3A_320, %mul3A_332 : vector<16xi32>
        %mul3A_334 = vector.broadcast %and3A_326 : i32 to vector<16xi32>
        %mul3A_335 = arith.muli %shift_right_logical3A_323, %mul3A_334 : vector<16xi32>
        %mul3A_336 = vector.broadcast %shift_right_logical3A_329 : i32 to vector<16xi32>
        %mul3A_337 = arith.muli %shift_right_logical3A_323, %mul3A_336 : vector<16xi32>
        %shift_right_logical3A_338 = arith.constant 16 : i32
        %shift_right_logical3A_339 = vector.broadcast %shift_right_logical3A_338 : i32 to vector<16xi32>
        %shift_right_logical3A_340 = arith.shrui %mul3A_331, %shift_right_logical3A_339 : vector<16xi32>
        %and3A_341 = arith.constant 65535 : i32
        %and3A_342 = vector.broadcast %and3A_341 : i32 to vector<16xi32>
        %and3A_343 = arith.andi %mul3A_333, %and3A_342 : vector<16xi32>
        %add3A_344 = arith.addi %shift_right_logical3A_340, %and3A_343 : vector<16xi32>
        %and3A_345 = arith.constant 65535 : i32
        %and3A_346 = vector.broadcast %and3A_345 : i32 to vector<16xi32>
        %and3A_347 = arith.andi %mul3A_335, %and3A_346 : vector<16xi32>
        %add3A_348 = arith.addi %add3A_344, %and3A_347 : vector<16xi32>
        %and3A_349 = arith.constant 65535 : i32
        %and3A_350 = vector.broadcast %and3A_349 : i32 to vector<16xi32>
        %and3A_351 = arith.andi %mul3A_331, %and3A_350 : vector<16xi32>
        %shift_left3A_352 = arith.constant 16 : i32
        %shift_left3A_353 = vector.broadcast %shift_left3A_352 : i32 to vector<16xi32>
        %shift_left3A_354 = arith.shli %add3A_348, %shift_left3A_353 : vector<16xi32>
        %or3A_355 = arith.ori %and3A_351, %shift_left3A_354 : vector<16xi32>
        %shift_right_logical3A_356 = arith.constant 16 : i32
        %shift_right_logical3A_357 = vector.broadcast %shift_right_logical3A_356 : i32 to vector<16xi32>
        %shift_right_logical3A_358 = arith.shrui %mul3A_333, %shift_right_logical3A_357 : vector<16xi32>
        %add3A_359 = arith.addi %mul3A_337, %shift_right_logical3A_358 : vector<16xi32>
        %shift_right_logical3A_360 = arith.constant 16 : i32
        %shift_right_logical3A_361 = vector.broadcast %shift_right_logical3A_360 : i32 to vector<16xi32>
        %shift_right_logical3A_362 = arith.shrui %mul3A_335, %shift_right_logical3A_361 : vector<16xi32>
        %add3A_363 = arith.addi %add3A_359, %shift_right_logical3A_362 : vector<16xi32>
        %shift_right_logical3A_364 = arith.constant 16 : i32
        %shift_right_logical3A_365 = vector.broadcast %shift_right_logical3A_364 : i32 to vector<16xi32>
        %shift_right_logical3A_366 = arith.shrui %add3A_348, %shift_right_logical3A_365 : vector<16xi32>
        %add3A_367 = arith.addi %add3A_363, %shift_right_logical3A_366 : vector<16xi32>
        %shift_right_logical3A_368 = arith.constant 18 : i32
        %shift_right_logical3A_369 = vector.broadcast %shift_right_logical3A_368 : i32 to vector<16xi32>
        %shift_right_logical3A_370 = arith.shrui %add3A_367, %shift_right_logical3A_369 : vector<16xi32>
        %mul3A_371 = arith.constant 999999 : i32
        %mul3A_372 = vector.broadcast %mul3A_371 : i32 to vector<16xi32>
        %mul3A_373 = arith.muli %shift_right_logical3A_370, %mul3A_372 : vector<16xi32>
        %sub3A_374 = arith.subi %add3A_317, %mul3A_373 : vector<16xi32>
        %add3A_375 = arith.constant 1 : i32
        %add3A_376 = vector.broadcast %add3A_375 : i32 to vector<16xi32>
        %add3A_377 = arith.addi %sub3A_374, %add3A_376 : vector<16xi32>
        %ne3A = arith.constant 0 : i32
        %ne3A_378 = vector.broadcast %ne3A : i32 to vector<16xi32>
        %ne3A_379 = arith.cmpi ne, %bitcast3A, %ne3A_378 : vector<16xi32>
        %convert_element_type3A_380 = arith.extui %ne3A_379 : vector<16xi1> to vector<16xi32>
        %mul3A_381 = arith.muli %add3A_377, %convert_element_type3A_380 : vector<16xi32>
        %bitcast3A_382 = vector.bitcast %mul3A_381 : vector<16xi32> to vector<16xi32>
        tpu.vector_store_idx %arg5[%while3A_35, %while3A_36], %bitcast3A_382 : memref<64x200xi32, #tpu.memory_space<vmem>>[vector<16xi32>, vector<16xi32>], vector<16xi32>,
        %add3A_383 = arith.constant 16 : i32
        %add3A_384 = vector.broadcast %add3A_383 : i32 to vector<16xi32>
        %add3A_385 = arith.addi %while3A_36, %add3A_384 : vector<16xi32>
        %ge3A = arith.constant 200 : i32
        %ge3A_386 = vector.broadcast %ge3A : i32 to vector<16xi32>
        %ge3A_387 = arith.cmpi sge, %add3A_385, %ge3A_386 : vector<16xi32>
        %convert_element_type3A_388 = arith.extui %ge3A_387 : vector<16xi1> to vector<16xi32>
        %add3A_389 = arith.addi %while3A_35, %convert_element_type3A_388 : vector<16xi32>
        %mul3A_390 = arith.constant 200 : i32
        %mul3A_391 = vector.broadcast %mul3A_390 : i32 to vector<16xi32>
        %mul3A_392 = arith.muli %convert_element_type3A_388, %mul3A_391 : vector<16xi32>
        %sub3A_393 = arith.subi %add3A_385, %mul3A_392 : vector<16xi32>
        scf.yield %add3A_389, %sub3A_393 : vector<16xi32>, vector<16xi32>
      }
      %while3A_31 = arith.constant 1 : i32
      %while3A_32:2 = scf.for %while3A_34 = %while3A_28 to %while3A_24 step %while3A_31 iter_args(%while3A_35 = %while3A_30#0, %while3A_36 = %while3A_30#1) -> (vector<16xi32>, vector<16xi32>)  : i32 {
        %gather3A = tpu.vector_load_idx %arg4[%while3A_35, %while3A_36] : memref<64x200xi32, #tpu.memory_space<vmem>>[vector<16xi32>, vector<16xi32>], vector<16xi32>,
        %bitcast3A = vector.bitcast %gather3A : vector<16xi32> to vector<16xi32>
        %and3A = arith.constant 65535 : i32
        %and3A_37 = vector.broadcast %and3A : i32 to vector<16xi32>
        %and3A_38 = arith.andi %bitcast3A, %and3A_37 : vector<16xi32>
        %shift_right_logical3A = arith.constant 16 : i32
        %shift_right_logical3A_39 = vector.broadcast %shift_right_logical3A : i32 to vector<16xi32>
        %shift_right_logical3A_40 = arith.shrui %bitcast3A, %shift_right_logical3A_39 : vector<16xi32>
        %and3A_41 = arith.constant -313160499 : i32
        %and3A_42 = arith.constant 65535 : i32
        %and3A_43 = arith.andi %and3A_41, %and3A_42 : i32
        %shift_right_logical3A_44 = arith.constant -313160499 : i32
        %shift_right_logical3A_45 = arith.constant 16 : i32
        %shift_right_logical3A_46 = arith.shrui %shift_right_logical3A_44, %shift_right_logical3A_45 : i32
        %mul3A_47 = vector.broadcast %and3A_43 : i32 to vector<16xi32>
        %mul3A_48 = arith.muli %and3A_38, %mul3A_47 : vector<16xi32>
        %mul3A_49 = vector.broadcast %shift_right_logical3A_46 : i32 to vector<16xi32>
        %mul3A_50 = arith.muli %and3A_38, %mul3A_49 : vector<16xi32>
        %mul3A_51 = vector.broadcast %and3A_43 : i32 to vector<16xi32>
        %mul3A_52 = arith.muli %shift_right_logical3A_40, %mul3A_51 : vector<16xi32>
        %mul3A_53 = vector.broadcast %shift_right_logical3A_46 : i32 to vector<16xi32>
        %mul3A_54 = arith.muli %shift_right_logical3A_40, %mul3A_53 : vector<16xi32>
        %shift_right_logical3A_55 = arith.constant 16 : i32
        %shift_right_logical3A_56 = vector.broadcast %shift_right_logical3A_55 : i32 to vector<16xi32>
        %shift_right_logical3A_57 = arith.shrui %mul3A_48, %shift_right_logical3A_56 : vector<16xi32>
        %and3A_58 = arith.constant 65535 : i32
        %and3A_59 = vector.broadcast %and3A_58 : i32 to vector<16xi32>
        %and3A_60 = arith.andi %mul3A_50, %and3A_59 : vector<16xi32>
        %add3A_61 = arith.addi %shift_right_logical3A_57, %and3A_60 : vector<16xi32>
        %and3A_62 = arith.constant 65535 : i32
        %and3A_63 = vector.broadcast %and3A_62 : i32 to vector<16xi32>
        %and3A_64 = arith.andi %mul3A_52, %and3A_63 : vector<16xi32>
        %add3A_65 = arith.addi %add3A_61, %and3A_64 : vector<16xi32>
        %and3A_66 = arith.constant 65535 : i32
        %and3A_67 = vector.broadcast %and3A_66 : i32 to vector<16xi32>
        %and3A_68 = arith.andi %mul3A_48, %and3A_67 : vector<16xi32>
        %shift_left3A = arith.constant 16 : i32
        %shift_left3A_69 = vector.broadcast %shift_left3A : i32 to vector<16xi32>
        %shift_left3A_70 = arith.shli %add3A_65, %shift_left3A_69 : vector<16xi32>
        %or3A = arith.ori %and3A_68, %shift_left3A_70 : vector<16xi32>
        %shift_right_logical3A_71 = arith.constant 16 : i32
        %shift_right_logical3A_72 = vector.broadcast %shift_right_logical3A_71 : i32 to vector<16xi32>
        %shift_right_logical3A_73 = arith.shrui %mul3A_50, %shift_right_logical3A_72 : vector<16xi32>
        %add3A_74 = arith.addi %mul3A_54, %shift_right_logical3A_73 : vector<16xi32>
        %shift_right_logical3A_75 = arith.constant 16 : i32
        %shift_right_logical3A_76 = vector.broadcast %shift_right_logical3A_75 : i32 to vector<16xi32>
        %shift_right_logical3A_77 = arith.shrui %mul3A_52, %shift_right_logical3A_76 : vector<16xi32>
        %add3A_78 = arith.addi %add3A_74, %shift_right_logical3A_77 : vector<16xi32>
        %shift_right_logical3A_79 = arith.constant 16 : i32
        %shift_right_logical3A_80 = vector.broadcast %shift_right_logical3A_79 : i32 to vector<16xi32>
        %shift_right_logical3A_81 = arith.shrui %add3A_65, %shift_right_logical3A_80 : vector<16xi32>
        %add3A_82 = arith.addi %add3A_78, %shift_right_logical3A_81 : vector<16xi32>
        %mul3A_83 = arith.constant -11423785 : i32
        %mul3A_84 = vector.broadcast %mul3A_83 : i32 to vector<16xi32>
        %mul3A_85 = arith.muli %bitcast3A, %mul3A_84 : vector<16xi32>
        %add3A_86 = arith.addi %add3A_82, %mul3A_85 : vector<16xi32>
        %shift_right_logical3A_87 = arith.constant 1 : i32
        %shift_right_logical3A_88 = vector.broadcast %shift_right_logical3A_87 : i32 to vector<16xi32>
        %shift_right_logical3A_89 = arith.shrui %add3A_86, %shift_right_logical3A_88 : vector<16xi32>
        %xor3A = arith.xori %or3A, %shift_right_logical3A_89 : vector<16xi32>
        %and3A_90 = arith.constant 65535 : i32
        %and3A_91 = vector.broadcast %and3A_90 : i32 to vector<16xi32>
        %and3A_92 = arith.andi %xor3A, %and3A_91 : vector<16xi32>
        %shift_right_logical3A_93 = arith.constant 16 : i32
        %shift_right_logical3A_94 = vector.broadcast %shift_right_logical3A_93 : i32 to vector<16xi32>
        %shift_right_logical3A_95 = arith.shrui %xor3A, %shift_right_logical3A_94 : vector<16xi32>
        %and3A_96 = arith.constant 444984403 : i32
        %and3A_97 = arith.constant 65535 : i32
        %and3A_98 = arith.andi %and3A_96, %and3A_97 : i32
        %shift_right_logical3A_99 = arith.constant 444984403 : i32
        %shift_right_logical3A_100 = arith.constant 16 : i32
        %shift_right_logical3A_101 = arith.shrui %shift_right_logical3A_99, %shift_right_logical3A_100 : i32
        %mul3A_102 = vector.broadcast %and3A_98 : i32 to vector<16xi32>
        %mul3A_103 = arith.muli %and3A_92, %mul3A_102 : vector<16xi32>
        %mul3A_104 = vector.broadcast %shift_right_logical3A_101 : i32 to vector<16xi32>
        %mul3A_105 = arith.muli %and3A_92, %mul3A_104 : vector<16xi32>
        %mul3A_106 = vector.broadcast %and3A_98 : i32 to vector<16xi32>
        %mul3A_107 = arith.muli %shift_right_logical3A_95, %mul3A_106 : vector<16xi32>
        %mul3A_108 = vector.broadcast %shift_right_logical3A_101 : i32 to vector<16xi32>
        %mul3A_109 = arith.muli %shift_right_logical3A_95, %mul3A_108 : vector<16xi32>
        %shift_right_logical3A_110 = arith.constant 16 : i32
        %shift_right_logical3A_111 = vector.broadcast %shift_right_logical3A_110 : i32 to vector<16xi32>
        %shift_right_logical3A_112 = arith.shrui %mul3A_103, %shift_right_logical3A_111 : vector<16xi32>
        %and3A_113 = arith.constant 65535 : i32
        %and3A_114 = vector.broadcast %and3A_113 : i32 to vector<16xi32>
        %and3A_115 = arith.andi %mul3A_105, %and3A_114 : vector<16xi32>
        %add3A_116 = arith.addi %shift_right_logical3A_112, %and3A_115 : vector<16xi32>
        %and3A_117 = arith.constant 65535 : i32
        %and3A_118 = vector.broadcast %and3A_117 : i32 to vector<16xi32>
        %and3A_119 = arith.andi %mul3A_107, %and3A_118 : vector<16xi32>
        %add3A_120 = arith.addi %add3A_116, %and3A_119 : vector<16xi32>
        %and3A_121 = arith.constant 65535 : i32
        %and3A_122 = vector.broadcast %and3A_121 : i32 to vector<16xi32>
        %and3A_123 = arith.andi %mul3A_103, %and3A_122 : vector<16xi32>
        %shift_left3A_124 = arith.constant 16 : i32
        %shift_left3A_125 = vector.broadcast %shift_left3A_124 : i32 to vector<16xi32>
        %shift_left3A_126 = arith.shli %add3A_120, %shift_left3A_125 : vector<16xi32>
        %or3A_127 = arith.ori %and3A_123, %shift_left3A_126 : vector<16xi32>
        %shift_right_logical3A_128 = arith.constant 16 : i32
        %shift_right_logical3A_129 = vector.broadcast %shift_right_logical3A_128 : i32 to vector<16xi32>
        %shift_right_logical3A_130 = arith.shrui %mul3A_105, %shift_right_logical3A_129 : vector<16xi32>
        %add3A_131 = arith.addi %mul3A_109, %shift_right_logical3A_130 : vector<16xi32>
        %shift_right_logical3A_132 = arith.constant 16 : i32
        %shift_right_logical3A_133 = vector.broadcast %shift_right_logical3A_132 : i32 to vector<16xi32>
        %shift_right_logical3A_134 = arith.shrui %mul3A_107, %shift_right_logical3A_133 : vector<16xi32>
        %add3A_135 = arith.addi %add3A_131, %shift_right_logical3A_134 : vector<16xi32>
        %shift_right_logical3A_136 = arith.constant 16 : i32
        %shift_right_logical3A_137 = vector.broadcast %shift_right_logical3A_136 : i32 to vector<16xi32>
        %shift_right_logical3A_138 = arith.shrui %add3A_120, %shift_right_logical3A_137 : vector<16xi32>
        %add3A_139 = arith.addi %add3A_135, %shift_right_logical3A_138 : vector<16xi32>
        %mul3A_140 = arith.constant -993084930 : i32
        %mul3A_141 = vector.broadcast %mul3A_140 : i32 to vector<16xi32>
        %mul3A_142 = arith.muli %xor3A, %mul3A_141 : vector<16xi32>
        %add3A_143 = arith.addi %add3A_139, %mul3A_142 : vector<16xi32>
        %mul3A_144 = arith.constant 444984403 : i32
        %mul3A_145 = vector.broadcast %mul3A_144 : i32 to vector<16xi32>
        %mul3A_146 = arith.muli %add3A_86, %mul3A_145 : vector<16xi32>
        %add3A_147 = arith.addi %add3A_143, %mul3A_146 : vector<16xi32>
        %shift_right_logical3A_148 = arith.constant 1 : i32
        %shift_right_logical3A_149 = vector.broadcast %shift_right_logical3A_148 : i32 to vector<16xi32>
        %shift_right_logical3A_150 = arith.shrui %add3A_147, %shift_right_logical3A_149 : vector<16xi32>
        %xor3A_151 = arith.xori %or3A_127, %shift_right_logical3A_150 : vector<16xi32>
        %and3A_152 = arith.constant 65535 : i32
        %and3A_153 = vector.broadcast %and3A_152 : i32 to vector<16xi32>
        %and3A_154 = arith.andi %add3A_147, %and3A_153 : vector<16xi32>
        %shift_right_logical3A_155 = arith.constant 16 : i32
        %shift_right_logical3A_156 = vector.broadcast %shift_right_logical3A_155 : i32 to vector<16xi32>
        %shift_right_logical3A_157 = arith.shrui %add3A_147, %shift_right_logical3A_156 : vector<16xi32>
        %and3A_158 = arith.constant 971590 : i32
        %and3A_159 = arith.constant 65535 : i32
        %and3A_160 = arith.andi %and3A_158, %and3A_159 : i32
        %shift_right_logical3A_161 = arith.constant 971590 : i32
        %shift_right_logical3A_162 = arith.constant 16 : i32
        %shift_right_logical3A_163 = arith.shrui %shift_right_logical3A_161, %shift_right_logical3A_162 : i32
        %mul3A_164 = vector.broadcast %and3A_160 : i32 to vector<16xi32>
        %mul3A_165 = arith.muli %and3A_154, %mul3A_164 : vector<16xi32>
        %mul3A_166 = vector.broadcast %shift_right_logical3A_163 : i32 to vector<16xi32>
        %mul3A_167 = arith.muli %and3A_154, %mul3A_166 : vector<16xi32>
        %mul3A_168 = vector.broadcast %and3A_160 : i32 to vector<16xi32>
        %mul3A_169 = arith.muli %shift_right_logical3A_157, %mul3A_168 : vector<16xi32>
        %mul3A_170 = vector.broadcast %shift_right_logical3A_163 : i32 to vector<16xi32>
        %mul3A_171 = arith.muli %shift_right_logical3A_157, %mul3A_170 : vector<16xi32>
        %shift_right_logical3A_172 = arith.constant 16 : i32
        %shift_right_logical3A_173 = vector.broadcast %shift_right_logical3A_172 : i32 to vector<16xi32>
        %shift_right_logical3A_174 = arith.shrui %mul3A_165, %shift_right_logical3A_173 : vector<16xi32>
        %and3A_175 = arith.constant 65535 : i32
        %and3A_176 = vector.broadcast %and3A_175 : i32 to vector<16xi32>
        %and3A_177 = arith.andi %mul3A_167, %and3A_176 : vector<16xi32>
        %add3A_178 = arith.addi %shift_right_logical3A_174, %and3A_177 : vector<16xi32>
        %and3A_179 = arith.constant 65535 : i32
        %and3A_180 = vector.broadcast %and3A_179 : i32 to vector<16xi32>
        %and3A_181 = arith.andi %mul3A_169, %and3A_180 : vector<16xi32>
        %add3A_182 = arith.addi %add3A_178, %and3A_181 : vector<16xi32>
        %and3A_183 = arith.constant 65535 : i32
        %and3A_184 = vector.broadcast %and3A_183 : i32 to vector<16xi32>
        %and3A_185 = arith.andi %mul3A_165, %and3A_184 : vector<16xi32>
        %shift_left3A_186 = arith.constant 16 : i32
        %shift_left3A_187 = vector.broadcast %shift_left3A_186 : i32 to vector<16xi32>
        %shift_left3A_188 = arith.shli %add3A_182, %shift_left3A_187 : vector<16xi32>
        %or3A_189 = arith.ori %and3A_185, %shift_left3A_188 : vector<16xi32>
        %shift_right_logical3A_190 = arith.constant 16 : i32
        %shift_right_logical3A_191 = vector.broadcast %shift_right_logical3A_190 : i32 to vector<16xi32>
        %shift_right_logical3A_192 = arith.shrui %mul3A_167, %shift_right_logical3A_191 : vector<16xi32>
        %add3A_193 = arith.addi %mul3A_171, %shift_right_logical3A_192 : vector<16xi32>
        %shift_right_logical3A_194 = arith.constant 16 : i32
        %shift_right_logical3A_195 = vector.broadcast %shift_right_logical3A_194 : i32 to vector<16xi32>
        %shift_right_logical3A_196 = arith.shrui %mul3A_169, %shift_right_logical3A_195 : vector<16xi32>
        %add3A_197 = arith.addi %add3A_193, %shift_right_logical3A_196 : vector<16xi32>
        %shift_right_logical3A_198 = arith.constant 16 : i32
        %shift_right_logical3A_199 = vector.broadcast %shift_right_logical3A_198 : i32 to vector<16xi32>
        %shift_right_logical3A_200 = arith.shrui %add3A_182, %shift_right_logical3A_199 : vector<16xi32>
        %add3A_201 = arith.addi %add3A_197, %shift_right_logical3A_200 : vector<16xi32>
        %add3A_202 = arith.addi %or3A_189, %xor3A_151 : vector<16xi32>
        %lt3A = arith.cmpi ult, %add3A_202, %or3A_189 : vector<16xi32>
        %convert_element_type3A = arith.extui %lt3A : vector<16xi1> to vector<16xi32>
        %add3A_203 = arith.addi %add3A_201, %convert_element_type3A : vector<16xi32>
        %and3A_204 = arith.constant 65535 : i32
        %and3A_205 = vector.broadcast %and3A_204 : i32 to vector<16xi32>
        %and3A_206 = arith.andi %add3A_203, %and3A_205 : vector<16xi32>
        %shift_right_logical3A_207 = arith.constant 16 : i32
        %shift_right_logical3A_208 = vector.broadcast %shift_right_logical3A_207 : i32 to vector<16xi32>
        %shift_right_logical3A_209 = arith.shrui %add3A_203, %shift_right_logical3A_208 : vector<16xi32>
        %and3A_210 = arith.constant 971590 : i32
        %and3A_211 = arith.constant 65535 : i32
        %and3A_212 = arith.andi %and3A_210, %and3A_211 : i32
        %shift_right_logical3A_213 = arith.constant 971590 : i32
        %shift_right_logical3A_214 = arith.constant 16 : i32
        %shift_right_logical3A_215 = arith.shrui %shift_right_logical3A_213, %shift_right_logical3A_214 : i32
        %mul3A_216 = vector.broadcast %and3A_212 : i32 to vector<16xi32>
        %mul3A_217 = arith.muli %and3A_206, %mul3A_216 : vector<16xi32>
        %mul3A_218 = vector.broadcast %shift_right_logical3A_215 : i32 to vector<16xi32>
        %mul3A_219 = arith.muli %and3A_206, %mul3A_218 : vector<16xi32>
        %mul3A_220 = vector.broadcast %and3A_212 : i32 to vector<16xi32>
        %mul3A_221 = arith.muli %shift_right_logical3A_209, %mul3A_220 : vector<16xi32>
        %mul3A_222 = vector.broadcast %shift_right_logical3A_215 : i32 to vector<16xi32>
        %mul3A_223 = arith.muli %shift_right_logical3A_209, %mul3A_222 : vector<16xi32>
        %shift_right_logical3A_224 = arith.constant 16 : i32
        %shift_right_logical3A_225 = vector.broadcast %shift_right_logical3A_224 : i32 to vector<16xi32>
        %shift_right_logical3A_226 = arith.shrui %mul3A_217, %shift_right_logical3A_225 : vector<16xi32>
        %and3A_227 = arith.constant 65535 : i32
        %and3A_228 = vector.broadcast %and3A_227 : i32 to vector<16xi32>
        %and3A_229 = arith.andi %mul3A_219, %and3A_228 : vector<16xi32>
        %add3A_230 = arith.addi %shift_right_logical3A_226, %and3A_229 : vector<16xi32>
        %and3A_231 = arith.constant 65535 : i32
        %and3A_232 = vector.broadcast %and3A_231 : i32 to vector<16xi32>
        %and3A_233 = arith.andi %mul3A_221, %and3A_232 : vector<16xi32>
        %add3A_234 = arith.addi %add3A_230, %and3A_233 : vector<16xi32>
        %and3A_235 = arith.constant 65535 : i32
        %and3A_236 = vector.broadcast %and3A_235 : i32 to vector<16xi32>
        %and3A_237 = arith.andi %mul3A_217, %and3A_236 : vector<16xi32>
        %shift_left3A_238 = arith.constant 16 : i32
        %shift_left3A_239 = vector.broadcast %shift_left3A_238 : i32 to vector<16xi32>
        %shift_left3A_240 = arith.shli %add3A_234, %shift_left3A_239 : vector<16xi32>
        %or3A_241 = arith.ori %and3A_237, %shift_left3A_240 : vector<16xi32>
        %shift_right_logical3A_242 = arith.constant 16 : i32
        %shift_right_logical3A_243 = vector.broadcast %shift_right_logical3A_242 : i32 to vector<16xi32>
        %shift_right_logical3A_244 = arith.shrui %mul3A_219, %shift_right_logical3A_243 : vector<16xi32>
        %add3A_245 = arith.addi %mul3A_223, %shift_right_logical3A_244 : vector<16xi32>
        %shift_right_logical3A_246 = arith.constant 16 : i32
        %shift_right_logical3A_247 = vector.broadcast %shift_right_logical3A_246 : i32 to vector<16xi32>
        %shift_right_logical3A_248 = arith.shrui %mul3A_221, %shift_right_logical3A_247 : vector<16xi32>
        %add3A_249 = arith.addi %add3A_245, %shift_right_logical3A_248 : vector<16xi32>
        %shift_right_logical3A_250 = arith.constant 16 : i32
        %shift_right_logical3A_251 = vector.broadcast %shift_right_logical3A_250 : i32 to vector<16xi32>
        %shift_right_logical3A_252 = arith.shrui %add3A_234, %shift_right_logical3A_251 : vector<16xi32>
        %add3A_253 = arith.addi %add3A_249, %shift_right_logical3A_252 : vector<16xi32>
        %add3A_254 = arith.addi %or3A_241, %add3A_202 : vector<16xi32>
        %lt3A_255 = arith.cmpi ult, %add3A_254, %or3A_241 : vector<16xi32>
        %convert_element_type3A_256 = arith.extui %lt3A_255 : vector<16xi1> to vector<16xi32>
        %add3A_257 = arith.addi %add3A_253, %convert_element_type3A_256 : vector<16xi32>
        %mul3A_258 = arith.constant 971590 : i32
        %mul3A_259 = vector.broadcast %mul3A_258 : i32 to vector<16xi32>
        %mul3A_260 = arith.muli %add3A_257, %mul3A_259 : vector<16xi32>
        %and3A_261 = arith.constant 65535 : i32
        %and3A_262 = vector.broadcast %and3A_261 : i32 to vector<16xi32>
        %and3A_263 = arith.andi %add3A_254, %and3A_262 : vector<16xi32>
        %shift_right_logical3A_264 = arith.constant 16 : i32
        %shift_right_logical3A_265 = vector.broadcast %shift_right_logical3A_264 : i32 to vector<16xi32>
        %shift_right_logical3A_266 = arith.shrui %add3A_254, %shift_right_logical3A_265 : vector<16xi32>
        %and3A_267 = arith.constant 1125901033 : i32
        %and3A_268 = arith.constant 65535 : i32
        %and3A_269 = arith.andi %and3A_267, %and3A_268 : i32
        %shift_right_logical3A_270 = arith.constant 1125901033 : i32
        %shift_right_logical3A_271 = arith.constant 16 : i32
        %shift_right_logical3A_272 = arith.shrui %shift_right_logical3A_270, %shift_right_logical3A_271 : i32
        %mul3A_273 = vector.broadcast %and3A_269 : i32 to vector<16xi32>
        %mul3A_274 = arith.muli %and3A_263, %mul3A_273 : vector<16xi32>
        %mul3A_275 = vector.broadcast %shift_right_logical3A_272 : i32 to vector<16xi32>
        %mul3A_276 = arith.muli %and3A_263, %mul3A_275 : vector<16xi32>
        %mul3A_277 = vector.broadcast %and3A_269 : i32 to vector<16xi32>
        %mul3A_278 = arith.muli %shift_right_logical3A_266, %mul3A_277 : vector<16xi32>
        %mul3A_279 = vector.broadcast %shift_right_logical3A_272 : i32 to vector<16xi32>
        %mul3A_280 = arith.muli %shift_right_logical3A_266, %mul3A_279 : vector<16xi32>
        %shift_right_logical3A_281 = arith.constant 16 : i32
        %shift_right_logical3A_282 = vector.broadcast %shift_right_logical3A_281 : i32 to vector<16xi32>
        %shift_right_logical3A_283 = arith.shrui %mul3A_274, %shift_right_logical3A_282 : vector<16xi32>
        %and3A_284 = arith.constant 65535 : i32
        %and3A_285 = vector.broadcast %and3A_284 : i32 to vector<16xi32>
        %and3A_286 = arith.andi %mul3A_276, %and3A_285 : vector<16xi32>
        %add3A_287 = arith.addi %shift_right_logical3A_283, %and3A_286 : vector<16xi32>
        %and3A_288 = arith.constant 65535 : i32
        %and3A_289 = vector.broadcast %and3A_288 : i32 to vector<16xi32>
        %and3A_290 = arith.andi %mul3A_278, %and3A_289 : vector<16xi32>
        %add3A_291 = arith.addi %add3A_287, %and3A_290 : vector<16xi32>
        %and3A_292 = arith.constant 65535 : i32
        %and3A_293 = vector.broadcast %and3A_292 : i32 to vector<16xi32>
        %and3A_294 = arith.andi %mul3A_274, %and3A_293 : vector<16xi32>
        %shift_left3A_295 = arith.constant 16 : i32
        %shift_left3A_296 = vector.broadcast %shift_left3A_295 : i32 to vector<16xi32>
        %shift_left3A_297 = arith.shli %add3A_291, %shift_left3A_296 : vector<16xi32>
        %or3A_298 = arith.ori %and3A_294, %shift_left3A_297 : vector<16xi32>
        %shift_right_logical3A_299 = arith.constant 16 : i32
        %shift_right_logical3A_300 = vector.broadcast %shift_right_logical3A_299 : i32 to vector<16xi32>
        %shift_right_logical3A_301 = arith.shrui %mul3A_276, %shift_right_logical3A_300 : vector<16xi32>
        %add3A_302 = arith.addi %mul3A_280, %shift_right_logical3A_301 : vector<16xi32>
        %shift_right_logical3A_303 = arith.constant 16 : i32
        %shift_right_logical3A_304 = vector.broadcast %shift_right_logical3A_303 : i32 to vector<16xi32>
        %shift_right_logical3A_305 = arith.shrui %mul3A_278, %shift_right_logical3A_304 : vector<16xi32>
        %add3A_306 = arith.addi %add3A_302, %shift_right_logical3A_305 : vector<16xi32>
        %shift_right_logical3A_307 = arith.constant 16 : i32
        %shift_right_logical3A_308 = vector.broadcast %shift_right_logical3A_307 : i32 to vector<16xi32>
        %shift_right_logical3A_309 = arith.shrui %add3A_291, %shift_right_logical3A_308 : vector<16xi32>
        %add3A_310 = arith.addi %add3A_306, %shift_right_logical3A_309 : vector<16xi32>
        %shift_right_logical3A_311 = arith.constant 18 : i32
        %shift_right_logical3A_312 = vector.broadcast %shift_right_logical3A_311 : i32 to vector<16xi32>
        %shift_right_logical3A_313 = arith.shrui %add3A_310, %shift_right_logical3A_312 : vector<16xi32>
        %mul3A_314 = arith.constant 999999 : i32
        %mul3A_315 = vector.broadcast %mul3A_314 : i32 to vector<16xi32>
        %mul3A_316 = arith.muli %shift_right_logical3A_313, %mul3A_315 : vector<16xi32>
        %sub3A = arith.subi %add3A_254, %mul3A_316 : vector<16xi32>
        %add3A_317 = arith.addi %mul3A_260, %sub3A : vector<16xi32>
        %and3A_318 = arith.constant 65535 : i32
        %and3A_319 = vector.broadcast %and3A_318 : i32 to vector<16xi32>
        %and3A_320 = arith.andi %add3A_317, %and3A_319 : vector<16xi32>
        %shift_right_logical3A_321 = arith.constant 16 : i32
        %shift_right_logical3A_322 = vector.broadcast %shift_right_logical3A_321 : i32 to vector<16xi32>
        %shift_right_logical3A_323 = arith.shrui %add3A_317, %shift_right_logical3A_322 : vector<16xi32>
        %and3A_324 = arith.constant 1125901033 : i32
        %and3A_325 = arith.constant 65535 : i32
        %and3A_326 = arith.andi %and3A_324, %and3A_325 : i32
        %shift_right_logical3A_327 = arith.constant 1125901033 : i32
        %shift_right_logical3A_328 = arith.constant 16 : i32
        %shift_right_logical3A_329 = arith.shrui %shift_right_logical3A_327, %shift_right_logical3A_328 : i32
        %mul3A_330 = vector.broadcast %and3A_326 : i32 to vector<16xi32>
        %mul3A_331 = arith.muli %and3A_320, %mul3A_330 : vector<16xi32>
        %mul3A_332 = vector.broadcast %shift_right_logical3A_329 : i32 to vector<16xi32>
        %mul3A_333 = arith.muli %and3A_320, %mul3A_332 : vector<16xi32>
        %mul3A_334 = vector.broadcast %and3A_326 : i32 to vector<16xi32>
        %mul3A_335 = arith.muli %shift_right_logical3A_323, %mul3A_334 : vector<16xi32>
        %mul3A_336 = vector.broadcast %shift_right_logical3A_329 : i32 to vector<16xi32>
        %mul3A_337 = arith.muli %shift_right_logical3A_323, %mul3A_336 : vector<16xi32>
        %shift_right_logical3A_338 = arith.constant 16 : i32
        %shift_right_logical3A_339 = vector.broadcast %shift_right_logical3A_338 : i32 to vector<16xi32>
        %shift_right_logical3A_340 = arith.shrui %mul3A_331, %shift_right_logical3A_339 : vector<16xi32>
        %and3A_341 = arith.constant 65535 : i32
        %and3A_342 = vector.broadcast %and3A_341 : i32 to vector<16xi32>
        %and3A_343 = arith.andi %mul3A_333, %and3A_342 : vector<16xi32>
        %add3A_344 = arith.addi %shift_right_logical3A_340, %and3A_343 : vector<16xi32>
        %and3A_345 = arith.constant 65535 : i32
        %and3A_346 = vector.broadcast %and3A_345 : i32 to vector<16xi32>
        %and3A_347 = arith.andi %mul3A_335, %and3A_346 : vector<16xi32>
        %add3A_348 = arith.addi %add3A_344, %and3A_347 : vector<16xi32>
        %and3A_349 = arith.constant 65535 : i32
        %and3A_350 = vector.broadcast %and3A_349 : i32 to vector<16xi32>
        %and3A_351 = arith.andi %mul3A_331, %and3A_350 : vector<16xi32>
        %shift_left3A_352 = arith.constant 16 : i32
        %shift_left3A_353 = vector.broadcast %shift_left3A_352 : i32 to vector<16xi32>
        %shift_left3A_354 = arith.shli %add3A_348, %shift_left3A_353 : vector<16xi32>
        %or3A_355 = arith.ori %and3A_351, %shift_left3A_354 : vector<16xi32>
        %shift_right_logical3A_356 = arith.constant 16 : i32
        %shift_right_logical3A_357 = vector.broadcast %shift_right_logical3A_356 : i32 to vector<16xi32>
        %shift_right_logical3A_358 = arith.shrui %mul3A_333, %shift_right_logical3A_357 : vector<16xi32>
        %add3A_359 = arith.addi %mul3A_337, %shift_right_logical3A_358 : vector<16xi32>
        %shift_right_logical3A_360 = arith.constant 16 : i32
        %shift_right_logical3A_361 = vector.broadcast %shift_right_logical3A_360 : i32 to vector<16xi32>
        %shift_right_logical3A_362 = arith.shrui %mul3A_335, %shift_right_logical3A_361 : vector<16xi32>
        %add3A_363 = arith.addi %add3A_359, %shift_right_logical3A_362 : vector<16xi32>
        %shift_right_logical3A_364 = arith.constant 16 : i32
        %shift_right_logical3A_365 = vector.broadcast %shift_right_logical3A_364 : i32 to vector<16xi32>
        %shift_right_logical3A_366 = arith.shrui %add3A_348, %shift_right_logical3A_365 : vector<16xi32>
        %add3A_367 = arith.addi %add3A_363, %shift_right_logical3A_366 : vector<16xi32>
        %shift_right_logical3A_368 = arith.constant 18 : i32
        %shift_right_logical3A_369 = vector.broadcast %shift_right_logical3A_368 : i32 to vector<16xi32>
        %shift_right_logical3A_370 = arith.shrui %add3A_367, %shift_right_logical3A_369 : vector<16xi32>
        %mul3A_371 = arith.constant 999999 : i32
        %mul3A_372 = vector.broadcast %mul3A_371 : i32 to vector<16xi32>
        %mul3A_373 = arith.muli %shift_right_logical3A_370, %mul3A_372 : vector<16xi32>
        %sub3A_374 = arith.subi %add3A_317, %mul3A_373 : vector<16xi32>
        %add3A_375 = arith.constant 1 : i32
        %add3A_376 = vector.broadcast %add3A_375 : i32 to vector<16xi32>
        %add3A_377 = arith.addi %sub3A_374, %add3A_376 : vector<16xi32>
        %ne3A = arith.constant 0 : i32
        %ne3A_378 = vector.broadcast %ne3A : i32 to vector<16xi32>
        %ne3A_379 = arith.cmpi ne, %bitcast3A, %ne3A_378 : vector<16xi32>
        %convert_element_type3A_380 = arith.extui %ne3A_379 : vector<16xi1> to vector<16xi32>
        %mul3A_381 = arith.muli %add3A_377, %convert_element_type3A_380 : vector<16xi32>
        %bitcast3A_382 = vector.bitcast %mul3A_381 : vector<16xi32> to vector<16xi32>
        tpu.vector_store_idx %arg5[%while3A_35, %while3A_36], %bitcast3A_382 : memref<64x200xi32, #tpu.memory_space<vmem>>[vector<16xi32>, vector<16xi32>], vector<16xi32>,
        %add3A_383 = arith.constant 16 : i32
        %add3A_384 = vector.broadcast %add3A_383 : i32 to vector<16xi32>
        %add3A_385 = arith.addi %while3A_36, %add3A_384 : vector<16xi32>
        %ge3A = arith.constant 200 : i32
        %ge3A_386 = vector.broadcast %ge3A : i32 to vector<16xi32>
        %ge3A_387 = arith.cmpi sge, %add3A_385, %ge3A_386 : vector<16xi32>
        %convert_element_type3A_388 = arith.extui %ge3A_387 : vector<16xi1> to vector<16xi32>
        %add3A_389 = arith.addi %while3A_35, %convert_element_type3A_388 : vector<16xi32>
        %mul3A_390 = arith.constant 200 : i32
        %mul3A_391 = vector.broadcast %mul3A_390 : i32 to vector<16xi32>
        %mul3A_392 = arith.muli %convert_element_type3A_388, %mul3A_391 : vector<16xi32>
        %sub3A_393 = arith.subi %add3A_385, %mul3A_392 : vector<16xi32>
        scf.yield %add3A_389, %sub3A_393 : vector<16xi32>, vector<16xi32>
      }
      "tpu.region"() ({
        %run_scoped3A = tpu.sem_alloc : memref<!tpu.dma_semaphore, #tpu.memory_space<semaphore_mem>>
        %dma_start3A = arith.constant 0 : i32
        %dma_start3A_34 = tpu.memref_slice %arg3[%add3A_19, %dma_start3A] : memref<4096x200xi32, #tpu.memory_space<hbm>> -> memref<64x200xi32, #tpu.memory_space<hbm>>
        %dma_start3A_35 = arith.constant 0 : i32
        %dma_start3A_36 = tpu.memref_slice %arg3[%add3A_19, %dma_start3A_35] : memref<4096x200xi32, #tpu.memory_space<hbm>> -> memref<64x200xi32, #tpu.memory_space<hbm>>
        tpu.enqueue_dma source(%arg5 : memref<64x200xi32, #tpu.memory_space<vmem>>) target(%dma_start3A_36 : memref<64x200xi32, #tpu.memory_space<hbm>>) target_semaphore(%run_scoped3A : memref<!tpu.dma_semaphore, #tpu.memory_space<semaphore_mem>>)
        %dma_wait3A = arith.constant 0 : i32
        %dma_wait3A_37 = tpu.memref_slice %arg3[%add3A_19, %dma_wait3A] : memref<4096x200xi32, #tpu.memory_space<hbm>> -> memref<64x200xi32, #tpu.memory_space<hbm>>
        %dma_wait3A_38 = arith.constant 0 : i32
        %dma_wait3A_39 = tpu.memref_slice %arg3[%add3A_19, %dma_wait3A_38] : memref<4096x200xi32, #tpu.memory_space<hbm>> -> memref<64x200xi32, #tpu.memory_space<hbm>>
        tpu.wait_dma2 semaphore(%run_scoped3A : memref<!tpu.dma_semaphore, #tpu.memory_space<semaphore_mem>>) src(%arg5 : memref<64x200xi32, #tpu.memory_space<vmem>>) dst(%dma_wait3A_39 : memref<64x200xi32, #tpu.memory_space<hbm>>)
        tpu.yield
      }) : () -> ()
      %while3A_33 = arith.constant 0 : i32
      scf.yield %while3A_33 : i32
    }
    %while3A_13 = arith.constant 1 : i32
    %while3A_14 = scf.for %while3A_15 = %while3A_10 to %while3A_6 step %while3A_13 iter_args(%while3A_16 = %while3A_12) -> (i32)  : i32 {
      %mul3A_17 = arith.constant 64 : i32
      %mul3A_18 = arith.muli %while3A_15, %mul3A_17 : i32
      %add3A_19 = arith.addi %mul3A_2, %mul3A_18 : i32
      "tpu.region"() ({
        %run_scoped3A = tpu.sem_alloc : memref<!tpu.dma_semaphore, #tpu.memory_space<semaphore_mem>>
        %dma_start3A = arith.constant 0 : i32
        %dma_start3A_34 = tpu.memref_slice %arg2[%add3A_19, %dma_start3A] : memref<4096x200xi32, #tpu.memory_space<hbm>> -> memref<64x200xi32, #tpu.memory_space<hbm>>
        %dma_start3A_35 = arith.constant 0 : i32
        %dma_start3A_36 = tpu.memref_slice %arg2[%add3A_19, %dma_start3A_35] : memref<4096x200xi32, #tpu.memory_space<hbm>> -> memref<64x200xi32, #tpu.memory_space<hbm>>
        tpu.enqueue_dma source(%dma_start3A_36 : memref<64x200xi32, #tpu.memory_space<hbm>>) target(%arg4 : memref<64x200xi32, #tpu.memory_space<vmem>>) target_semaphore(%run_scoped3A : memref<!tpu.dma_semaphore, #tpu.memory_space<semaphore_mem>>)
        %dma_wait3A = arith.constant 0 : i32
        %dma_wait3A_37 = tpu.memref_slice %arg2[%add3A_19, %dma_wait3A] : memref<4096x200xi32, #tpu.memory_space<hbm>> -> memref<64x200xi32, #tpu.memory_space<hbm>>
        %dma_wait3A_38 = arith.constant 0 : i32
        %dma_wait3A_39 = tpu.memref_slice %arg2[%add3A_19, %dma_wait3A_38] : memref<4096x200xi32, #tpu.memory_space<hbm>> -> memref<64x200xi32, #tpu.memory_space<hbm>>
        tpu.wait_dma2 semaphore(%run_scoped3A : memref<!tpu.dma_semaphore, #tpu.memory_space<semaphore_mem>>) src(%dma_wait3A_39 : memref<64x200xi32, #tpu.memory_space<hbm>>) dst(%arg4 : memref<64x200xi32, #tpu.memory_space<vmem>>)
        tpu.yield
      }) : () -> ()
      %broadcast_in_dim3A = arith.constant 0 : i32
      %broadcast_in_dim3A_20 = vector.broadcast %broadcast_in_dim3A : i32 to vector<16xi32>
      %while3A_21 = arith.constant 0 : i32
      %while3A_22 = arith.constant 800 : i32
      %while3A_23 = arith.subi %while3A_22, %while3A_21 : i32
      %while3A_24 = arith.addi %while3A_21, %while3A_23 : i32
      %while3A_25 = arith.constant 1 : i32
      %while3A_26 = arith.divsi %while3A_23, %while3A_25 : i32
      %while3A_27 = arith.muli %while3A_26, %while3A_25 : i32
      %while3A_28 = arith.addi %while3A_21, %while3A_27 : i32
      %while3A_29 = arith.constant 1 : i32
      %while3A_30:2 = scf.for %while3A_34 = %while3A_21 to %while3A_28 step %while3A_29 iter_args(%while3A_35 = %broadcast_in_dim3A_20, %while3A_36 = %iota3A) -> (vector<16xi32>, vector<16xi32>)  : i32 {
        %gather3A = tpu.vector_load_idx %arg4[%while3A_35, %while3A_36] : memref<64x200xi32, #tpu.memory_space<vmem>>[vector<16xi32>, vector<16xi32>], vector<16xi32>,
        %bitcast3A = vector.bitcast %gather3A : vector<16xi32> to vector<16xi32>
        %and3A = arith.constant 65535 : i32
        %and3A_37 = vector.broadcast %and3A : i32 to vector<16xi32>
        %and3A_38 = arith.andi %bitcast3A, %and3A_37 : vector<16xi32>
        %shift_right_logical3A = arith.constant 16 : i32
        %shift_right_logical3A_39 = vector.broadcast %shift_right_logical3A : i32 to vector<16xi32>
        %shift_right_logical3A_40 = arith.shrui %bitcast3A, %shift_right_logical3A_39 : vector<16xi32>
        %and3A_41 = arith.constant -313160499 : i32
        %and3A_42 = arith.constant 65535 : i32
        %and3A_43 = arith.andi %and3A_41, %and3A_42 : i32
        %shift_right_logical3A_44 = arith.constant -313160499 : i32
        %shift_right_logical3A_45 = arith.constant 16 : i32
        %shift_right_logical3A_46 = arith.shrui %shift_right_logical3A_44, %shift_right_logical3A_45 : i32
        %mul3A_47 = vector.broadcast %and3A_43 : i32 to vector<16xi32>
        %mul3A_48 = arith.muli %and3A_38, %mul3A_47 : vector<16xi32>
        %mul3A_49 = vector.broadcast %shift_right_logical3A_46 : i32 to vector<16xi32>
        %mul3A_50 = arith.muli %and3A_38, %mul3A_49 : vector<16xi32>
        %mul3A_51 = vector.broadcast %and3A_43 : i32 to vector<16xi32>
        %mul3A_52 = arith.muli %shift_right_logical3A_40, %mul3A_51 : vector<16xi32>
        %mul3A_53 = vector.broadcast %shift_right_logical3A_46 : i32 to vector<16xi32>
        %mul3A_54 = arith.muli %shift_right_logical3A_40, %mul3A_53 : vector<16xi32>
        %shift_right_logical3A_55 = arith.constant 16 : i32
        %shift_right_logical3A_56 = vector.broadcast %shift_right_logical3A_55 : i32 to vector<16xi32>
        %shift_right_logical3A_57 = arith.shrui %mul3A_48, %shift_right_logical3A_56 : vector<16xi32>
        %and3A_58 = arith.constant 65535 : i32
        %and3A_59 = vector.broadcast %and3A_58 : i32 to vector<16xi32>
        %and3A_60 = arith.andi %mul3A_50, %and3A_59 : vector<16xi32>
        %add3A_61 = arith.addi %shift_right_logical3A_57, %and3A_60 : vector<16xi32>
        %and3A_62 = arith.constant 65535 : i32
        %and3A_63 = vector.broadcast %and3A_62 : i32 to vector<16xi32>
        %and3A_64 = arith.andi %mul3A_52, %and3A_63 : vector<16xi32>
        %add3A_65 = arith.addi %add3A_61, %and3A_64 : vector<16xi32>
        %and3A_66 = arith.constant 65535 : i32
        %and3A_67 = vector.broadcast %and3A_66 : i32 to vector<16xi32>
        %and3A_68 = arith.andi %mul3A_48, %and3A_67 : vector<16xi32>
        %shift_left3A = arith.constant 16 : i32
        %shift_left3A_69 = vector.broadcast %shift_left3A : i32 to vector<16xi32>
        %shift_left3A_70 = arith.shli %add3A_65, %shift_left3A_69 : vector<16xi32>
        %or3A = arith.ori %and3A_68, %shift_left3A_70 : vector<16xi32>
        %shift_right_logical3A_71 = arith.constant 16 : i32
        %shift_right_logical3A_72 = vector.broadcast %shift_right_logical3A_71 : i32 to vector<16xi32>
        %shift_right_logical3A_73 = arith.shrui %mul3A_50, %shift_right_logical3A_72 : vector<16xi32>
        %add3A_74 = arith.addi %mul3A_54, %shift_right_logical3A_73 : vector<16xi32>
        %shift_right_logical3A_75 = arith.constant 16 : i32
        %shift_right_logical3A_76 = vector.broadcast %shift_right_logical3A_75 : i32 to vector<16xi32>
        %shift_right_logical3A_77 = arith.shrui %mul3A_52, %shift_right_logical3A_76 : vector<16xi32>
        %add3A_78 = arith.addi %add3A_74, %shift_right_logical3A_77 : vector<16xi32>
        %shift_right_logical3A_79 = arith.constant 16 : i32
        %shift_right_logical3A_80 = vector.broadcast %shift_right_logical3A_79 : i32 to vector<16xi32>
        %shift_right_logical3A_81 = arith.shrui %add3A_65, %shift_right_logical3A_80 : vector<16xi32>
        %add3A_82 = arith.addi %add3A_78, %shift_right_logical3A_81 : vector<16xi32>
        %mul3A_83 = arith.constant -11423785 : i32
        %mul3A_84 = vector.broadcast %mul3A_83 : i32 to vector<16xi32>
        %mul3A_85 = arith.muli %bitcast3A, %mul3A_84 : vector<16xi32>
        %add3A_86 = arith.addi %add3A_82, %mul3A_85 : vector<16xi32>
        %shift_right_logical3A_87 = arith.constant 1 : i32
        %shift_right_logical3A_88 = vector.broadcast %shift_right_logical3A_87 : i32 to vector<16xi32>
        %shift_right_logical3A_89 = arith.shrui %add3A_86, %shift_right_logical3A_88 : vector<16xi32>
        %xor3A = arith.xori %or3A, %shift_right_logical3A_89 : vector<16xi32>
        %and3A_90 = arith.constant 65535 : i32
        %and3A_91 = vector.broadcast %and3A_90 : i32 to vector<16xi32>
        %and3A_92 = arith.andi %xor3A, %and3A_91 : vector<16xi32>
        %shift_right_logical3A_93 = arith.constant 16 : i32
        %shift_right_logical3A_94 = vector.broadcast %shift_right_logical3A_93 : i32 to vector<16xi32>
        %shift_right_logical3A_95 = arith.shrui %xor3A, %shift_right_logical3A_94 : vector<16xi32>
        %and3A_96 = arith.constant 444984403 : i32
        %and3A_97 = arith.constant 65535 : i32
        %and3A_98 = arith.andi %and3A_96, %and3A_97 : i32
        %shift_right_logical3A_99 = arith.constant 444984403 : i32
        %shift_right_logical3A_100 = arith.constant 16 : i32
        %shift_right_logical3A_101 = arith.shrui %shift_right_logical3A_99, %shift_right_logical3A_100 : i32
        %mul3A_102 = vector.broadcast %and3A_98 : i32 to vector<16xi32>
        %mul3A_103 = arith.muli %and3A_92, %mul3A_102 : vector<16xi32>
        %mul3A_104 = vector.broadcast %shift_right_logical3A_101 : i32 to vector<16xi32>
        %mul3A_105 = arith.muli %and3A_92, %mul3A_104 : vector<16xi32>
        %mul3A_106 = vector.broadcast %and3A_98 : i32 to vector<16xi32>
        %mul3A_107 = arith.muli %shift_right_logical3A_95, %mul3A_106 : vector<16xi32>
        %mul3A_108 = vector.broadcast %shift_right_logical3A_101 : i32 to vector<16xi32>
        %mul3A_109 = arith.muli %shift_right_logical3A_95, %mul3A_108 : vector<16xi32>
        %shift_right_logical3A_110 = arith.constant 16 : i32
        %shift_right_logical3A_111 = vector.broadcast %shift_right_logical3A_110 : i32 to vector<16xi32>
        %shift_right_logical3A_112 = arith.shrui %mul3A_103, %shift_right_logical3A_111 : vector<16xi32>
        %and3A_113 = arith.constant 65535 : i32
        %and3A_114 = vector.broadcast %and3A_113 : i32 to vector<16xi32>
        %and3A_115 = arith.andi %mul3A_105, %and3A_114 : vector<16xi32>
        %add3A_116 = arith.addi %shift_right_logical3A_112, %and3A_115 : vector<16xi32>
        %and3A_117 = arith.constant 65535 : i32
        %and3A_118 = vector.broadcast %and3A_117 : i32 to vector<16xi32>
        %and3A_119 = arith.andi %mul3A_107, %and3A_118 : vector<16xi32>
        %add3A_120 = arith.addi %add3A_116, %and3A_119 : vector<16xi32>
        %and3A_121 = arith.constant 65535 : i32
        %and3A_122 = vector.broadcast %and3A_121 : i32 to vector<16xi32>
        %and3A_123 = arith.andi %mul3A_103, %and3A_122 : vector<16xi32>
        %shift_left3A_124 = arith.constant 16 : i32
        %shift_left3A_125 = vector.broadcast %shift_left3A_124 : i32 to vector<16xi32>
        %shift_left3A_126 = arith.shli %add3A_120, %shift_left3A_125 : vector<16xi32>
        %or3A_127 = arith.ori %and3A_123, %shift_left3A_126 : vector<16xi32>
        %shift_right_logical3A_128 = arith.constant 16 : i32
        %shift_right_logical3A_129 = vector.broadcast %shift_right_logical3A_128 : i32 to vector<16xi32>
        %shift_right_logical3A_130 = arith.shrui %mul3A_105, %shift_right_logical3A_129 : vector<16xi32>
        %add3A_131 = arith.addi %mul3A_109, %shift_right_logical3A_130 : vector<16xi32>
        %shift_right_logical3A_132 = arith.constant 16 : i32
        %shift_right_logical3A_133 = vector.broadcast %shift_right_logical3A_132 : i32 to vector<16xi32>
        %shift_right_logical3A_134 = arith.shrui %mul3A_107, %shift_right_logical3A_133 : vector<16xi32>
        %add3A_135 = arith.addi %add3A_131, %shift_right_logical3A_134 : vector<16xi32>
        %shift_right_logical3A_136 = arith.constant 16 : i32
        %shift_right_logical3A_137 = vector.broadcast %shift_right_logical3A_136 : i32 to vector<16xi32>
        %shift_right_logical3A_138 = arith.shrui %add3A_120, %shift_right_logical3A_137 : vector<16xi32>
        %add3A_139 = arith.addi %add3A_135, %shift_right_logical3A_138 : vector<16xi32>
        %mul3A_140 = arith.constant -993084930 : i32
        %mul3A_141 = vector.broadcast %mul3A_140 : i32 to vector<16xi32>
        %mul3A_142 = arith.muli %xor3A, %mul3A_141 : vector<16xi32>
        %add3A_143 = arith.addi %add3A_139, %mul3A_142 : vector<16xi32>
        %mul3A_144 = arith.constant 444984403 : i32
        %mul3A_145 = vector.broadcast %mul3A_144 : i32 to vector<16xi32>
        %mul3A_146 = arith.muli %add3A_86, %mul3A_145 : vector<16xi32>
        %add3A_147 = arith.addi %add3A_143, %mul3A_146 : vector<16xi32>
        %shift_right_logical3A_148 = arith.constant 1 : i32
        %shift_right_logical3A_149 = vector.broadcast %shift_right_logical3A_148 : i32 to vector<16xi32>
        %shift_right_logical3A_150 = arith.shrui %add3A_147, %shift_right_logical3A_149 : vector<16xi32>
        %xor3A_151 = arith.xori %or3A_127, %shift_right_logical3A_150 : vector<16xi32>
        %and3A_152 = arith.constant 65535 : i32
        %and3A_153 = vector.broadcast %and3A_152 : i32 to vector<16xi32>
        %and3A_154 = arith.andi %add3A_147, %and3A_153 : vector<16xi32>
        %shift_right_logical3A_155 = arith.constant 16 : i32
        %shift_right_logical3A_156 = vector.broadcast %shift_right_logical3A_155 : i32 to vector<16xi32>
        %shift_right_logical3A_157 = arith.shrui %add3A_147, %shift_right_logical3A_156 : vector<16xi32>
        %and3A_158 = arith.constant 971590 : i32
        %and3A_159 = arith.constant 65535 : i32
        %and3A_160 = arith.andi %and3A_158, %and3A_159 : i32
        %shift_right_logical3A_161 = arith.constant 971590 : i32
        %shift_right_logical3A_162 = arith.constant 16 : i32
        %shift_right_logical3A_163 = arith.shrui %shift_right_logical3A_161, %shift_right_logical3A_162 : i32
        %mul3A_164 = vector.broadcast %and3A_160 : i32 to vector<16xi32>
        %mul3A_165 = arith.muli %and3A_154, %mul3A_164 : vector<16xi32>
        %mul3A_166 = vector.broadcast %shift_right_logical3A_163 : i32 to vector<16xi32>
        %mul3A_167 = arith.muli %and3A_154, %mul3A_166 : vector<16xi32>
        %mul3A_168 = vector.broadcast %and3A_160 : i32 to vector<16xi32>
        %mul3A_169 = arith.muli %shift_right_logical3A_157, %mul3A_168 : vector<16xi32>
        %mul3A_170 = vector.broadcast %shift_right_logical3A_163 : i32 to vector<16xi32>
        %mul3A_171 = arith.muli %shift_right_logical3A_157, %mul3A_170 : vector<16xi32>
        %shift_right_logical3A_172 = arith.constant 16 : i32
        %shift_right_logical3A_173 = vector.broadcast %shift_right_logical3A_172 : i32 to vector<16xi32>
        %shift_right_logical3A_174 = arith.shrui %mul3A_165, %shift_right_logical3A_173 : vector<16xi32>
        %and3A_175 = arith.constant 65535 : i32
        %and3A_176 = vector.broadcast %and3A_175 : i32 to vector<16xi32>
        %and3A_177 = arith.andi %mul3A_167, %and3A_176 : vector<16xi32>
        %add3A_178 = arith.addi %shift_right_logical3A_174, %and3A_177 : vector<16xi32>
        %and3A_179 = arith.constant 65535 : i32
        %and3A_180 = vector.broadcast %and3A_179 : i32 to vector<16xi32>
        %and3A_181 = arith.andi %mul3A_169, %and3A_180 : vector<16xi32>
        %add3A_182 = arith.addi %add3A_178, %and3A_181 : vector<16xi32>
        %and3A_183 = arith.constant 65535 : i32
        %and3A_184 = vector.broadcast %and3A_183 : i32 to vector<16xi32>
        %and3A_185 = arith.andi %mul3A_165, %and3A_184 : vector<16xi32>
        %shift_left3A_186 = arith.constant 16 : i32
        %shift_left3A_187 = vector.broadcast %shift_left3A_186 : i32 to vector<16xi32>
        %shift_left3A_188 = arith.shli %add3A_182, %shift_left3A_187 : vector<16xi32>
        %or3A_189 = arith.ori %and3A_185, %shift_left3A_188 : vector<16xi32>
        %shift_right_logical3A_190 = arith.constant 16 : i32
        %shift_right_logical3A_191 = vector.broadcast %shift_right_logical3A_190 : i32 to vector<16xi32>
        %shift_right_logical3A_192 = arith.shrui %mul3A_167, %shift_right_logical3A_191 : vector<16xi32>
        %add3A_193 = arith.addi %mul3A_171, %shift_right_logical3A_192 : vector<16xi32>
        %shift_right_logical3A_194 = arith.constant 16 : i32
        %shift_right_logical3A_195 = vector.broadcast %shift_right_logical3A_194 : i32 to vector<16xi32>
        %shift_right_logical3A_196 = arith.shrui %mul3A_169, %shift_right_logical3A_195 : vector<16xi32>
        %add3A_197 = arith.addi %add3A_193, %shift_right_logical3A_196 : vector<16xi32>
        %shift_right_logical3A_198 = arith.constant 16 : i32
        %shift_right_logical3A_199 = vector.broadcast %shift_right_logical3A_198 : i32 to vector<16xi32>
        %shift_right_logical3A_200 = arith.shrui %add3A_182, %shift_right_logical3A_199 : vector<16xi32>
        %add3A_201 = arith.addi %add3A_197, %shift_right_logical3A_200 : vector<16xi32>
        %add3A_202 = arith.addi %or3A_189, %xor3A_151 : vector<16xi32>
        %lt3A = arith.cmpi ult, %add3A_202, %or3A_189 : vector<16xi32>
        %convert_element_type3A = arith.extui %lt3A : vector<16xi1> to vector<16xi32>
        %add3A_203 = arith.addi %add3A_201, %convert_element_type3A : vector<16xi32>
        %and3A_204 = arith.constant 65535 : i32
        %and3A_205 = vector.broadcast %and3A_204 : i32 to vector<16xi32>
        %and3A_206 = arith.andi %add3A_203, %and3A_205 : vector<16xi32>
        %shift_right_logical3A_207 = arith.constant 16 : i32
        %shift_right_logical3A_208 = vector.broadcast %shift_right_logical3A_207 : i32 to vector<16xi32>
        %shift_right_logical3A_209 = arith.shrui %add3A_203, %shift_right_logical3A_208 : vector<16xi32>
        %and3A_210 = arith.constant 971590 : i32
        %and3A_211 = arith.constant 65535 : i32
        %and3A_212 = arith.andi %and3A_210, %and3A_211 : i32
        %shift_right_logical3A_213 = arith.constant 971590 : i32
        %shift_right_logical3A_214 = arith.constant 16 : i32
        %shift_right_logical3A_215 = arith.shrui %shift_right_logical3A_213, %shift_right_logical3A_214 : i32
        %mul3A_216 = vector.broadcast %and3A_212 : i32 to vector<16xi32>
        %mul3A_217 = arith.muli %and3A_206, %mul3A_216 : vector<16xi32>
        %mul3A_218 = vector.broadcast %shift_right_logical3A_215 : i32 to vector<16xi32>
        %mul3A_219 = arith.muli %and3A_206, %mul3A_218 : vector<16xi32>
        %mul3A_220 = vector.broadcast %and3A_212 : i32 to vector<16xi32>
        %mul3A_221 = arith.muli %shift_right_logical3A_209, %mul3A_220 : vector<16xi32>
        %mul3A_222 = vector.broadcast %shift_right_logical3A_215 : i32 to vector<16xi32>
        %mul3A_223 = arith.muli %shift_right_logical3A_209, %mul3A_222 : vector<16xi32>
        %shift_right_logical3A_224 = arith.constant 16 : i32
        %shift_right_logical3A_225 = vector.broadcast %shift_right_logical3A_224 : i32 to vector<16xi32>
        %shift_right_logical3A_226 = arith.shrui %mul3A_217, %shift_right_logical3A_225 : vector<16xi32>
        %and3A_227 = arith.constant 65535 : i32
        %and3A_228 = vector.broadcast %and3A_227 : i32 to vector<16xi32>
        %and3A_229 = arith.andi %mul3A_219, %and3A_228 : vector<16xi32>
        %add3A_230 = arith.addi %shift_right_logical3A_226, %and3A_229 : vector<16xi32>
        %and3A_231 = arith.constant 65535 : i32
        %and3A_232 = vector.broadcast %and3A_231 : i32 to vector<16xi32>
        %and3A_233 = arith.andi %mul3A_221, %and3A_232 : vector<16xi32>
        %add3A_234 = arith.addi %add3A_230, %and3A_233 : vector<16xi32>
        %and3A_235 = arith.constant 65535 : i32
        %and3A_236 = vector.broadcast %and3A_235 : i32 to vector<16xi32>
        %and3A_237 = arith.andi %mul3A_217, %and3A_236 : vector<16xi32>
        %shift_left3A_238 = arith.constant 16 : i32
        %shift_left3A_239 = vector.broadcast %shift_left3A_238 : i32 to vector<16xi32>
        %shift_left3A_240 = arith.shli %add3A_234, %shift_left3A_239 : vector<16xi32>
        %or3A_241 = arith.ori %and3A_237, %shift_left3A_240 : vector<16xi32>
        %shift_right_logical3A_242 = arith.constant 16 : i32
        %shift_right_logical3A_243 = vector.broadcast %shift_right_logical3A_242 : i32 to vector<16xi32>
        %shift_right_logical3A_244 = arith.shrui %mul3A_219, %shift_right_logical3A_243 : vector<16xi32>
        %add3A_245 = arith.addi %mul3A_223, %shift_right_logical3A_244 : vector<16xi32>
        %shift_right_logical3A_246 = arith.constant 16 : i32
        %shift_right_logical3A_247 = vector.broadcast %shift_right_logical3A_246 : i32 to vector<16xi32>
        %shift_right_logical3A_248 = arith.shrui %mul3A_221, %shift_right_logical3A_247 : vector<16xi32>
        %add3A_249 = arith.addi %add3A_245, %shift_right_logical3A_248 : vector<16xi32>
        %shift_right_logical3A_250 = arith.constant 16 : i32
        %shift_right_logical3A_251 = vector.broadcast %shift_right_logical3A_250 : i32 to vector<16xi32>
        %shift_right_logical3A_252 = arith.shrui %add3A_234, %shift_right_logical3A_251 : vector<16xi32>
        %add3A_253 = arith.addi %add3A_249, %shift_right_logical3A_252 : vector<16xi32>
        %add3A_254 = arith.addi %or3A_241, %add3A_202 : vector<16xi32>
        %lt3A_255 = arith.cmpi ult, %add3A_254, %or3A_241 : vector<16xi32>
        %convert_element_type3A_256 = arith.extui %lt3A_255 : vector<16xi1> to vector<16xi32>
        %add3A_257 = arith.addi %add3A_253, %convert_element_type3A_256 : vector<16xi32>
        %mul3A_258 = arith.constant 971590 : i32
        %mul3A_259 = vector.broadcast %mul3A_258 : i32 to vector<16xi32>
        %mul3A_260 = arith.muli %add3A_257, %mul3A_259 : vector<16xi32>
        %and3A_261 = arith.constant 65535 : i32
        %and3A_262 = vector.broadcast %and3A_261 : i32 to vector<16xi32>
        %and3A_263 = arith.andi %add3A_254, %and3A_262 : vector<16xi32>
        %shift_right_logical3A_264 = arith.constant 16 : i32
        %shift_right_logical3A_265 = vector.broadcast %shift_right_logical3A_264 : i32 to vector<16xi32>
        %shift_right_logical3A_266 = arith.shrui %add3A_254, %shift_right_logical3A_265 : vector<16xi32>
        %and3A_267 = arith.constant 1125901033 : i32
        %and3A_268 = arith.constant 65535 : i32
        %and3A_269 = arith.andi %and3A_267, %and3A_268 : i32
        %shift_right_logical3A_270 = arith.constant 1125901033 : i32
        %shift_right_logical3A_271 = arith.constant 16 : i32
        %shift_right_logical3A_272 = arith.shrui %shift_right_logical3A_270, %shift_right_logical3A_271 : i32
        %mul3A_273 = vector.broadcast %and3A_269 : i32 to vector<16xi32>
        %mul3A_274 = arith.muli %and3A_263, %mul3A_273 : vector<16xi32>
        %mul3A_275 = vector.broadcast %shift_right_logical3A_272 : i32 to vector<16xi32>
        %mul3A_276 = arith.muli %and3A_263, %mul3A_275 : vector<16xi32>
        %mul3A_277 = vector.broadcast %and3A_269 : i32 to vector<16xi32>
        %mul3A_278 = arith.muli %shift_right_logical3A_266, %mul3A_277 : vector<16xi32>
        %mul3A_279 = vector.broadcast %shift_right_logical3A_272 : i32 to vector<16xi32>
        %mul3A_280 = arith.muli %shift_right_logical3A_266, %mul3A_279 : vector<16xi32>
        %shift_right_logical3A_281 = arith.constant 16 : i32
        %shift_right_logical3A_282 = vector.broadcast %shift_right_logical3A_281 : i32 to vector<16xi32>
        %shift_right_logical3A_283 = arith.shrui %mul3A_274, %shift_right_logical3A_282 : vector<16xi32>
        %and3A_284 = arith.constant 65535 : i32
        %and3A_285 = vector.broadcast %and3A_284 : i32 to vector<16xi32>
        %and3A_286 = arith.andi %mul3A_276, %and3A_285 : vector<16xi32>
        %add3A_287 = arith.addi %shift_right_logical3A_283, %and3A_286 : vector<16xi32>
        %and3A_288 = arith.constant 65535 : i32
        %and3A_289 = vector.broadcast %and3A_288 : i32 to vector<16xi32>
        %and3A_290 = arith.andi %mul3A_278, %and3A_289 : vector<16xi32>
        %add3A_291 = arith.addi %add3A_287, %and3A_290 : vector<16xi32>
        %and3A_292 = arith.constant 65535 : i32
        %and3A_293 = vector.broadcast %and3A_292 : i32 to vector<16xi32>
        %and3A_294 = arith.andi %mul3A_274, %and3A_293 : vector<16xi32>
        %shift_left3A_295 = arith.constant 16 : i32
        %shift_left3A_296 = vector.broadcast %shift_left3A_295 : i32 to vector<16xi32>
        %shift_left3A_297 = arith.shli %add3A_291, %shift_left3A_296 : vector<16xi32>
        %or3A_298 = arith.ori %and3A_294, %shift_left3A_297 : vector<16xi32>
        %shift_right_logical3A_299 = arith.constant 16 : i32
        %shift_right_logical3A_300 = vector.broadcast %shift_right_logical3A_299 : i32 to vector<16xi32>
        %shift_right_logical3A_301 = arith.shrui %mul3A_276, %shift_right_logical3A_300 : vector<16xi32>
        %add3A_302 = arith.addi %mul3A_280, %shift_right_logical3A_301 : vector<16xi32>
        %shift_right_logical3A_303 = arith.constant 16 : i32
        %shift_right_logical3A_304 = vector.broadcast %shift_right_logical3A_303 : i32 to vector<16xi32>
        %shift_right_logical3A_305 = arith.shrui %mul3A_278, %shift_right_logical3A_304 : vector<16xi32>
        %add3A_306 = arith.addi %add3A_302, %shift_right_logical3A_305 : vector<16xi32>
        %shift_right_logical3A_307 = arith.constant 16 : i32
        %shift_right_logical3A_308 = vector.broadcast %shift_right_logical3A_307 : i32 to vector<16xi32>
        %shift_right_logical3A_309 = arith.shrui %add3A_291, %shift_right_logical3A_308 : vector<16xi32>
        %add3A_310 = arith.addi %add3A_306, %shift_right_logical3A_309 : vector<16xi32>
        %shift_right_logical3A_311 = arith.constant 18 : i32
        %shift_right_logical3A_312 = vector.broadcast %shift_right_logical3A_311 : i32 to vector<16xi32>
        %shift_right_logical3A_313 = arith.shrui %add3A_310, %shift_right_logical3A_312 : vector<16xi32>
        %mul3A_314 = arith.constant 999999 : i32
        %mul3A_315 = vector.broadcast %mul3A_314 : i32 to vector<16xi32>
        %mul3A_316 = arith.muli %shift_right_logical3A_313, %mul3A_315 : vector<16xi32>
        %sub3A = arith.subi %add3A_254, %mul3A_316 : vector<16xi32>
        %add3A_317 = arith.addi %mul3A_260, %sub3A : vector<16xi32>
        %and3A_318 = arith.constant 65535 : i32
        %and3A_319 = vector.broadcast %and3A_318 : i32 to vector<16xi32>
        %and3A_320 = arith.andi %add3A_317, %and3A_319 : vector<16xi32>
        %shift_right_logical3A_321 = arith.constant 16 : i32
        %shift_right_logical3A_322 = vector.broadcast %shift_right_logical3A_321 : i32 to vector<16xi32>
        %shift_right_logical3A_323 = arith.shrui %add3A_317, %shift_right_logical3A_322 : vector<16xi32>
        %and3A_324 = arith.constant 1125901033 : i32
        %and3A_325 = arith.constant 65535 : i32
        %and3A_326 = arith.andi %and3A_324, %and3A_325 : i32
        %shift_right_logical3A_327 = arith.constant 1125901033 : i32
        %shift_right_logical3A_328 = arith.constant 16 : i32
        %shift_right_logical3A_329 = arith.shrui %shift_right_logical3A_327, %shift_right_logical3A_328 : i32
        %mul3A_330 = vector.broadcast %and3A_326 : i32 to vector<16xi32>
        %mul3A_331 = arith.muli %and3A_320, %mul3A_330 : vector<16xi32>
        %mul3A_332 = vector.broadcast %shift_right_logical3A_329 : i32 to vector<16xi32>
        %mul3A_333 = arith.muli %and3A_320, %mul3A_332 : vector<16xi32>
        %mul3A_334 = vector.broadcast %and3A_326 : i32 to vector<16xi32>
        %mul3A_335 = arith.muli %shift_right_logical3A_323, %mul3A_334 : vector<16xi32>
        %mul3A_336 = vector.broadcast %shift_right_logical3A_329 : i32 to vector<16xi32>
        %mul3A_337 = arith.muli %shift_right_logical3A_323, %mul3A_336 : vector<16xi32>
        %shift_right_logical3A_338 = arith.constant 16 : i32
        %shift_right_logical3A_339 = vector.broadcast %shift_right_logical3A_338 : i32 to vector<16xi32>
        %shift_right_logical3A_340 = arith.shrui %mul3A_331, %shift_right_logical3A_339 : vector<16xi32>
        %and3A_341 = arith.constant 65535 : i32
        %and3A_342 = vector.broadcast %and3A_341 : i32 to vector<16xi32>
        %and3A_343 = arith.andi %mul3A_333, %and3A_342 : vector<16xi32>
        %add3A_344 = arith.addi %shift_right_logical3A_340, %and3A_343 : vector<16xi32>
        %and3A_345 = arith.constant 65535 : i32
        %and3A_346 = vector.broadcast %and3A_345 : i32 to vector<16xi32>
        %and3A_347 = arith.andi %mul3A_335, %and3A_346 : vector<16xi32>
        %add3A_348 = arith.addi %add3A_344, %and3A_347 : vector<16xi32>
        %and3A_349 = arith.constant 65535 : i32
        %and3A_350 = vector.broadcast %and3A_349 : i32 to vector<16xi32>
        %and3A_351 = arith.andi %mul3A_331, %and3A_350 : vector<16xi32>
        %shift_left3A_352 = arith.constant 16 : i32
        %shift_left3A_353 = vector.broadcast %shift_left3A_352 : i32 to vector<16xi32>
        %shift_left3A_354 = arith.shli %add3A_348, %shift_left3A_353 : vector<16xi32>
        %or3A_355 = arith.ori %and3A_351, %shift_left3A_354 : vector<16xi32>
        %shift_right_logical3A_356 = arith.constant 16 : i32
        %shift_right_logical3A_357 = vector.broadcast %shift_right_logical3A_356 : i32 to vector<16xi32>
        %shift_right_logical3A_358 = arith.shrui %mul3A_333, %shift_right_logical3A_357 : vector<16xi32>
        %add3A_359 = arith.addi %mul3A_337, %shift_right_logical3A_358 : vector<16xi32>
        %shift_right_logical3A_360 = arith.constant 16 : i32
        %shift_right_logical3A_361 = vector.broadcast %shift_right_logical3A_360 : i32 to vector<16xi32>
        %shift_right_logical3A_362 = arith.shrui %mul3A_335, %shift_right_logical3A_361 : vector<16xi32>
        %add3A_363 = arith.addi %add3A_359, %shift_right_logical3A_362 : vector<16xi32>
        %shift_right_logical3A_364 = arith.constant 16 : i32
        %shift_right_logical3A_365 = vector.broadcast %shift_right_logical3A_364 : i32 to vector<16xi32>
        %shift_right_logical3A_366 = arith.shrui %add3A_348, %shift_right_logical3A_365 : vector<16xi32>
        %add3A_367 = arith.addi %add3A_363, %shift_right_logical3A_366 : vector<16xi32>
        %shift_right_logical3A_368 = arith.constant 18 : i32
        %shift_right_logical3A_369 = vector.broadcast %shift_right_logical3A_368 : i32 to vector<16xi32>
        %shift_right_logical3A_370 = arith.shrui %add3A_367, %shift_right_logical3A_369 : vector<16xi32>
        %mul3A_371 = arith.constant 999999 : i32
        %mul3A_372 = vector.broadcast %mul3A_371 : i32 to vector<16xi32>
        %mul3A_373 = arith.muli %shift_right_logical3A_370, %mul3A_372 : vector<16xi32>
        %sub3A_374 = arith.subi %add3A_317, %mul3A_373 : vector<16xi32>
        %add3A_375 = arith.constant 1 : i32
        %add3A_376 = vector.broadcast %add3A_375 : i32 to vector<16xi32>
        %add3A_377 = arith.addi %sub3A_374, %add3A_376 : vector<16xi32>
        %ne3A = arith.constant 0 : i32
        %ne3A_378 = vector.broadcast %ne3A : i32 to vector<16xi32>
        %ne3A_379 = arith.cmpi ne, %bitcast3A, %ne3A_378 : vector<16xi32>
        %convert_element_type3A_380 = arith.extui %ne3A_379 : vector<16xi1> to vector<16xi32>
        %mul3A_381 = arith.muli %add3A_377, %convert_element_type3A_380 : vector<16xi32>
        %bitcast3A_382 = vector.bitcast %mul3A_381 : vector<16xi32> to vector<16xi32>
        tpu.vector_store_idx %arg5[%while3A_35, %while3A_36], %bitcast3A_382 : memref<64x200xi32, #tpu.memory_space<vmem>>[vector<16xi32>, vector<16xi32>], vector<16xi32>,
        %add3A_383 = arith.constant 16 : i32
        %add3A_384 = vector.broadcast %add3A_383 : i32 to vector<16xi32>
        %add3A_385 = arith.addi %while3A_36, %add3A_384 : vector<16xi32>
        %ge3A = arith.constant 200 : i32
        %ge3A_386 = vector.broadcast %ge3A : i32 to vector<16xi32>
        %ge3A_387 = arith.cmpi sge, %add3A_385, %ge3A_386 : vector<16xi32>
        %convert_element_type3A_388 = arith.extui %ge3A_387 : vector<16xi1> to vector<16xi32>
        %add3A_389 = arith.addi %while3A_35, %convert_element_type3A_388 : vector<16xi32>
        %mul3A_390 = arith.constant 200 : i32
        %mul3A_391 = vector.broadcast %mul3A_390 : i32 to vector<16xi32>
        %mul3A_392 = arith.muli %convert_element_type3A_388, %mul3A_391 : vector<16xi32>
        %sub3A_393 = arith.subi %add3A_385, %mul3A_392 : vector<16xi32>
        scf.yield %add3A_389, %sub3A_393 : vector<16xi32>, vector<16xi32>
      }
      %while3A_31 = arith.constant 1 : i32
      %while3A_32:2 = scf.for %while3A_34 = %while3A_28 to %while3A_24 step %while3A_31 iter_args(%while3A_35 = %while3A_30#0, %while3A_36 = %while3A_30#1) -> (vector<16xi32>, vector<16xi32>)  : i32 {
        %gather3A = tpu.vector_load_idx %arg4[%while3A_35, %while3A_36] : memref<64x200xi32, #tpu.memory_space<vmem>>[vector<16xi32>, vector<16xi32>], vector<16xi32>,
        %bitcast3A = vector.bitcast %gather3A : vector<16xi32> to vector<16xi32>
        %and3A = arith.constant 65535 : i32
        %and3A_37 = vector.broadcast %and3A : i32 to vector<16xi32>
        %and3A_38 = arith.andi %bitcast3A, %and3A_37 : vector<16xi32>
        %shift_right_logical3A = arith.constant 16 : i32
        %shift_right_logical3A_39 = vector.broadcast %shift_right_logical3A : i32 to vector<16xi32>
        %shift_right_logical3A_40 = arith.shrui %bitcast3A, %shift_right_logical3A_39 : vector<16xi32>
        %and3A_41 = arith.constant -313160499 : i32
        %and3A_42 = arith.constant 65535 : i32
        %and3A_43 = arith.andi %and3A_41, %and3A_42 : i32
        %shift_right_logical3A_44 = arith.constant -313160499 : i32
        %shift_right_logical3A_45 = arith.constant 16 : i32
        %shift_right_logical3A_46 = arith.shrui %shift_right_logical3A_44, %shift_right_logical3A_45 : i32
        %mul3A_47 = vector.broadcast %and3A_43 : i32 to vector<16xi32>
        %mul3A_48 = arith.muli %and3A_38, %mul3A_47 : vector<16xi32>
        %mul3A_49 = vector.broadcast %shift_right_logical3A_46 : i32 to vector<16xi32>
        %mul3A_50 = arith.muli %and3A_38, %mul3A_49 : vector<16xi32>
        %mul3A_51 = vector.broadcast %and3A_43 : i32 to vector<16xi32>
        %mul3A_52 = arith.muli %shift_right_logical3A_40, %mul3A_51 : vector<16xi32>
        %mul3A_53 = vector.broadcast %shift_right_logical3A_46 : i32 to vector<16xi32>
        %mul3A_54 = arith.muli %shift_right_logical3A_40, %mul3A_53 : vector<16xi32>
        %shift_right_logical3A_55 = arith.constant 16 : i32
        %shift_right_logical3A_56 = vector.broadcast %shift_right_logical3A_55 : i32 to vector<16xi32>
        %shift_right_logical3A_57 = arith.shrui %mul3A_48, %shift_right_logical3A_56 : vector<16xi32>
        %and3A_58 = arith.constant 65535 : i32
        %and3A_59 = vector.broadcast %and3A_58 : i32 to vector<16xi32>
        %and3A_60 = arith.andi %mul3A_50, %and3A_59 : vector<16xi32>
        %add3A_61 = arith.addi %shift_right_logical3A_57, %and3A_60 : vector<16xi32>
        %and3A_62 = arith.constant 65535 : i32
        %and3A_63 = vector.broadcast %and3A_62 : i32 to vector<16xi32>
        %and3A_64 = arith.andi %mul3A_52, %and3A_63 : vector<16xi32>
        %add3A_65 = arith.addi %add3A_61, %and3A_64 : vector<16xi32>
        %and3A_66 = arith.constant 65535 : i32
        %and3A_67 = vector.broadcast %and3A_66 : i32 to vector<16xi32>
        %and3A_68 = arith.andi %mul3A_48, %and3A_67 : vector<16xi32>
        %shift_left3A = arith.constant 16 : i32
        %shift_left3A_69 = vector.broadcast %shift_left3A : i32 to vector<16xi32>
        %shift_left3A_70 = arith.shli %add3A_65, %shift_left3A_69 : vector<16xi32>
        %or3A = arith.ori %and3A_68, %shift_left3A_70 : vector<16xi32>
        %shift_right_logical3A_71 = arith.constant 16 : i32
        %shift_right_logical3A_72 = vector.broadcast %shift_right_logical3A_71 : i32 to vector<16xi32>
        %shift_right_logical3A_73 = arith.shrui %mul3A_50, %shift_right_logical3A_72 : vector<16xi32>
        %add3A_74 = arith.addi %mul3A_54, %shift_right_logical3A_73 : vector<16xi32>
        %shift_right_logical3A_75 = arith.constant 16 : i32
        %shift_right_logical3A_76 = vector.broadcast %shift_right_logical3A_75 : i32 to vector<16xi32>
        %shift_right_logical3A_77 = arith.shrui %mul3A_52, %shift_right_logical3A_76 : vector<16xi32>
        %add3A_78 = arith.addi %add3A_74, %shift_right_logical3A_77 : vector<16xi32>
        %shift_right_logical3A_79 = arith.constant 16 : i32
        %shift_right_logical3A_80 = vector.broadcast %shift_right_logical3A_79 : i32 to vector<16xi32>
        %shift_right_logical3A_81 = arith.shrui %add3A_65, %shift_right_logical3A_80 : vector<16xi32>
        %add3A_82 = arith.addi %add3A_78, %shift_right_logical3A_81 : vector<16xi32>
        %mul3A_83 = arith.constant -11423785 : i32
        %mul3A_84 = vector.broadcast %mul3A_83 : i32 to vector<16xi32>
        %mul3A_85 = arith.muli %bitcast3A, %mul3A_84 : vector<16xi32>
        %add3A_86 = arith.addi %add3A_82, %mul3A_85 : vector<16xi32>
        %shift_right_logical3A_87 = arith.constant 1 : i32
        %shift_right_logical3A_88 = vector.broadcast %shift_right_logical3A_87 : i32 to vector<16xi32>
        %shift_right_logical3A_89 = arith.shrui %add3A_86, %shift_right_logical3A_88 : vector<16xi32>
        %xor3A = arith.xori %or3A, %shift_right_logical3A_89 : vector<16xi32>
        %and3A_90 = arith.constant 65535 : i32
        %and3A_91 = vector.broadcast %and3A_90 : i32 to vector<16xi32>
        %and3A_92 = arith.andi %xor3A, %and3A_91 : vector<16xi32>
        %shift_right_logical3A_93 = arith.constant 16 : i32
        %shift_right_logical3A_94 = vector.broadcast %shift_right_logical3A_93 : i32 to vector<16xi32>
        %shift_right_logical3A_95 = arith.shrui %xor3A, %shift_right_logical3A_94 : vector<16xi32>
        %and3A_96 = arith.constant 444984403 : i32
        %and3A_97 = arith.constant 65535 : i32
        %and3A_98 = arith.andi %and3A_96, %and3A_97 : i32
        %shift_right_logical3A_99 = arith.constant 444984403 : i32
        %shift_right_logical3A_100 = arith.constant 16 : i32
        %shift_right_logical3A_101 = arith.shrui %shift_right_logical3A_99, %shift_right_logical3A_100 : i32
        %mul3A_102 = vector.broadcast %and3A_98 : i32 to vector<16xi32>
        %mul3A_103 = arith.muli %and3A_92, %mul3A_102 : vector<16xi32>
        %mul3A_104 = vector.broadcast %shift_right_logical3A_101 : i32 to vector<16xi32>
        %mul3A_105 = arith.muli %and3A_92, %mul3A_104 : vector<16xi32>
        %mul3A_106 = vector.broadcast %and3A_98 : i32 to vector<16xi32>
        %mul3A_107 = arith.muli %shift_right_logical3A_95, %mul3A_106 : vector<16xi32>
        %mul3A_108 = vector.broadcast %shift_right_logical3A_101 : i32 to vector<16xi32>
        %mul3A_109 = arith.muli %shift_right_logical3A_95, %mul3A_108 : vector<16xi32>
        %shift_right_logical3A_110 = arith.constant 16 : i32
        %shift_right_logical3A_111 = vector.broadcast %shift_right_logical3A_110 : i32 to vector<16xi32>
        %shift_right_logical3A_112 = arith.shrui %mul3A_103, %shift_right_logical3A_111 : vector<16xi32>
        %and3A_113 = arith.constant 65535 : i32
        %and3A_114 = vector.broadcast %and3A_113 : i32 to vector<16xi32>
        %and3A_115 = arith.andi %mul3A_105, %and3A_114 : vector<16xi32>
        %add3A_116 = arith.addi %shift_right_logical3A_112, %and3A_115 : vector<16xi32>
        %and3A_117 = arith.constant 65535 : i32
        %and3A_118 = vector.broadcast %and3A_117 : i32 to vector<16xi32>
        %and3A_119 = arith.andi %mul3A_107, %and3A_118 : vector<16xi32>
        %add3A_120 = arith.addi %add3A_116, %and3A_119 : vector<16xi32>
        %and3A_121 = arith.constant 65535 : i32
        %and3A_122 = vector.broadcast %and3A_121 : i32 to vector<16xi32>
        %and3A_123 = arith.andi %mul3A_103, %and3A_122 : vector<16xi32>
        %shift_left3A_124 = arith.constant 16 : i32
        %shift_left3A_125 = vector.broadcast %shift_left3A_124 : i32 to vector<16xi32>
        %shift_left3A_126 = arith.shli %add3A_120, %shift_left3A_125 : vector<16xi32>
        %or3A_127 = arith.ori %and3A_123, %shift_left3A_126 : vector<16xi32>
        %shift_right_logical3A_128 = arith.constant 16 : i32
        %shift_right_logical3A_129 = vector.broadcast %shift_right_logical3A_128 : i32 to vector<16xi32>
        %shift_right_logical3A_130 = arith.shrui %mul3A_105, %shift_right_logical3A_129 : vector<16xi32>
        %add3A_131 = arith.addi %mul3A_109, %shift_right_logical3A_130 : vector<16xi32>
        %shift_right_logical3A_132 = arith.constant 16 : i32
        %shift_right_logical3A_133 = vector.broadcast %shift_right_logical3A_132 : i32 to vector<16xi32>
        %shift_right_logical3A_134 = arith.shrui %mul3A_107, %shift_right_logical3A_133 : vector<16xi32>
        %add3A_135 = arith.addi %add3A_131, %shift_right_logical3A_134 : vector<16xi32>
        %shift_right_logical3A_136 = arith.constant 16 : i32
        %shift_right_logical3A_137 = vector.broadcast %shift_right_logical3A_136 : i32 to vector<16xi32>
        %shift_right_logical3A_138 = arith.shrui %add3A_120, %shift_right_logical3A_137 : vector<16xi32>
        %add3A_139 = arith.addi %add3A_135, %shift_right_logical3A_138 : vector<16xi32>
        %mul3A_140 = arith.constant -993084930 : i32
        %mul3A_141 = vector.broadcast %mul3A_140 : i32 to vector<16xi32>
        %mul3A_142 = arith.muli %xor3A, %mul3A_141 : vector<16xi32>
        %add3A_143 = arith.addi %add3A_139, %mul3A_142 : vector<16xi32>
        %mul3A_144 = arith.constant 444984403 : i32
        %mul3A_145 = vector.broadcast %mul3A_144 : i32 to vector<16xi32>
        %mul3A_146 = arith.muli %add3A_86, %mul3A_145 : vector<16xi32>
        %add3A_147 = arith.addi %add3A_143, %mul3A_146 : vector<16xi32>
        %shift_right_logical3A_148 = arith.constant 1 : i32
        %shift_right_logical3A_149 = vector.broadcast %shift_right_logical3A_148 : i32 to vector<16xi32>
        %shift_right_logical3A_150 = arith.shrui %add3A_147, %shift_right_logical3A_149 : vector<16xi32>
        %xor3A_151 = arith.xori %or3A_127, %shift_right_logical3A_150 : vector<16xi32>
        %and3A_152 = arith.constant 65535 : i32
        %and3A_153 = vector.broadcast %and3A_152 : i32 to vector<16xi32>
        %and3A_154 = arith.andi %add3A_147, %and3A_153 : vector<16xi32>
        %shift_right_logical3A_155 = arith.constant 16 : i32
        %shift_right_logical3A_156 = vector.broadcast %shift_right_logical3A_155 : i32 to vector<16xi32>
        %shift_right_logical3A_157 = arith.shrui %add3A_147, %shift_right_logical3A_156 : vector<16xi32>
        %and3A_158 = arith.constant 971590 : i32
        %and3A_159 = arith.constant 65535 : i32
        %and3A_160 = arith.andi %and3A_158, %and3A_159 : i32
        %shift_right_logical3A_161 = arith.constant 971590 : i32
        %shift_right_logical3A_162 = arith.constant 16 : i32
        %shift_right_logical3A_163 = arith.shrui %shift_right_logical3A_161, %shift_right_logical3A_162 : i32
        %mul3A_164 = vector.broadcast %and3A_160 : i32 to vector<16xi32>
        %mul3A_165 = arith.muli %and3A_154, %mul3A_164 : vector<16xi32>
        %mul3A_166 = vector.broadcast %shift_right_logical3A_163 : i32 to vector<16xi32>
        %mul3A_167 = arith.muli %and3A_154, %mul3A_166 : vector<16xi32>
        %mul3A_168 = vector.broadcast %and3A_160 : i32 to vector<16xi32>
        %mul3A_169 = arith.muli %shift_right_logical3A_157, %mul3A_168 : vector<16xi32>
        %mul3A_170 = vector.broadcast %shift_right_logical3A_163 : i32 to vector<16xi32>
        %mul3A_171 = arith.muli %shift_right_logical3A_157, %mul3A_170 : vector<16xi32>
        %shift_right_logical3A_172 = arith.constant 16 : i32
        %shift_right_logical3A_173 = vector.broadcast %shift_right_logical3A_172 : i32 to vector<16xi32>
        %shift_right_logical3A_174 = arith.shrui %mul3A_165, %shift_right_logical3A_173 : vector<16xi32>
        %and3A_175 = arith.constant 65535 : i32
        %and3A_176 = vector.broadcast %and3A_175 : i32 to vector<16xi32>
        %and3A_177 = arith.andi %mul3A_167, %and3A_176 : vector<16xi32>
        %add3A_178 = arith.addi %shift_right_logical3A_174, %and3A_177 : vector<16xi32>
        %and3A_179 = arith.constant 65535 : i32
        %and3A_180 = vector.broadcast %and3A_179 : i32 to vector<16xi32>
        %and3A_181 = arith.andi %mul3A_169, %and3A_180 : vector<16xi32>
        %add3A_182 = arith.addi %add3A_178, %and3A_181 : vector<16xi32>
        %and3A_183 = arith.constant 65535 : i32
        %and3A_184 = vector.broadcast %and3A_183 : i32 to vector<16xi32>
        %and3A_185 = arith.andi %mul3A_165, %and3A_184 : vector<16xi32>
        %shift_left3A_186 = arith.constant 16 : i32
        %shift_left3A_187 = vector.broadcast %shift_left3A_186 : i32 to vector<16xi32>
        %shift_left3A_188 = arith.shli %add3A_182, %shift_left3A_187 : vector<16xi32>
        %or3A_189 = arith.ori %and3A_185, %shift_left3A_188 : vector<16xi32>
        %shift_right_logical3A_190 = arith.constant 16 : i32
        %shift_right_logical3A_191 = vector.broadcast %shift_right_logical3A_190 : i32 to vector<16xi32>
        %shift_right_logical3A_192 = arith.shrui %mul3A_167, %shift_right_logical3A_191 : vector<16xi32>
        %add3A_193 = arith.addi %mul3A_171, %shift_right_logical3A_192 : vector<16xi32>
        %shift_right_logical3A_194 = arith.constant 16 : i32
        %shift_right_logical3A_195 = vector.broadcast %shift_right_logical3A_194 : i32 to vector<16xi32>
        %shift_right_logical3A_196 = arith.shrui %mul3A_169, %shift_right_logical3A_195 : vector<16xi32>
        %add3A_197 = arith.addi %add3A_193, %shift_right_logical3A_196 : vector<16xi32>
        %shift_right_logical3A_198 = arith.constant 16 : i32
        %shift_right_logical3A_199 = vector.broadcast %shift_right_logical3A_198 : i32 to vector<16xi32>
        %shift_right_logical3A_200 = arith.shrui %add3A_182, %shift_right_logical3A_199 : vector<16xi32>
        %add3A_201 = arith.addi %add3A_197, %shift_right_logical3A_200 : vector<16xi32>
        %add3A_202 = arith.addi %or3A_189, %xor3A_151 : vector<16xi32>
        %lt3A = arith.cmpi ult, %add3A_202, %or3A_189 : vector<16xi32>
        %convert_element_type3A = arith.extui %lt3A : vector<16xi1> to vector<16xi32>
        %add3A_203 = arith.addi %add3A_201, %convert_element_type3A : vector<16xi32>
        %and3A_204 = arith.constant 65535 : i32
        %and3A_205 = vector.broadcast %and3A_204 : i32 to vector<16xi32>
        %and3A_206 = arith.andi %add3A_203, %and3A_205 : vector<16xi32>
        %shift_right_logical3A_207 = arith.constant 16 : i32
        %shift_right_logical3A_208 = vector.broadcast %shift_right_logical3A_207 : i32 to vector<16xi32>
        %shift_right_logical3A_209 = arith.shrui %add3A_203, %shift_right_logical3A_208 : vector<16xi32>
        %and3A_210 = arith.constant 971590 : i32
        %and3A_211 = arith.constant 65535 : i32
        %and3A_212 = arith.andi %and3A_210, %and3A_211 : i32
        %shift_right_logical3A_213 = arith.constant 971590 : i32
        %shift_right_logical3A_214 = arith.constant 16 : i32
        %shift_right_logical3A_215 = arith.shrui %shift_right_logical3A_213, %shift_right_logical3A_214 : i32
        %mul3A_216 = vector.broadcast %and3A_212 : i32 to vector<16xi32>
        %mul3A_217 = arith.muli %and3A_206, %mul3A_216 : vector<16xi32>
        %mul3A_218 = vector.broadcast %shift_right_logical3A_215 : i32 to vector<16xi32>
        %mul3A_219 = arith.muli %and3A_206, %mul3A_218 : vector<16xi32>
        %mul3A_220 = vector.broadcast %and3A_212 : i32 to vector<16xi32>
        %mul3A_221 = arith.muli %shift_right_logical3A_209, %mul3A_220 : vector<16xi32>
        %mul3A_222 = vector.broadcast %shift_right_logical3A_215 : i32 to vector<16xi32>
        %mul3A_223 = arith.muli %shift_right_logical3A_209, %mul3A_222 : vector<16xi32>
        %shift_right_logical3A_224 = arith.constant 16 : i32
        %shift_right_logical3A_225 = vector.broadcast %shift_right_logical3A_224 : i32 to vector<16xi32>
        %shift_right_logical3A_226 = arith.shrui %mul3A_217, %shift_right_logical3A_225 : vector<16xi32>
        %and3A_227 = arith.constant 65535 : i32
        %and3A_228 = vector.broadcast %and3A_227 : i32 to vector<16xi32>
        %and3A_229 = arith.andi %mul3A_219, %and3A_228 : vector<16xi32>
        %add3A_230 = arith.addi %shift_right_logical3A_226, %and3A_229 : vector<16xi32>
        %and3A_231 = arith.constant 65535 : i32
        %and3A_232 = vector.broadcast %and3A_231 : i32 to vector<16xi32>
        %and3A_233 = arith.andi %mul3A_221, %and3A_232 : vector<16xi32>
        %add3A_234 = arith.addi %add3A_230, %and3A_233 : vector<16xi32>
        %and3A_235 = arith.constant 65535 : i32
        %and3A_236 = vector.broadcast %and3A_235 : i32 to vector<16xi32>
        %and3A_237 = arith.andi %mul3A_217, %and3A_236 : vector<16xi32>
        %shift_left3A_238 = arith.constant 16 : i32
        %shift_left3A_239 = vector.broadcast %shift_left3A_238 : i32 to vector<16xi32>
        %shift_left3A_240 = arith.shli %add3A_234, %shift_left3A_239 : vector<16xi32>
        %or3A_241 = arith.ori %and3A_237, %shift_left3A_240 : vector<16xi32>
        %shift_right_logical3A_242 = arith.constant 16 : i32
        %shift_right_logical3A_243 = vector.broadcast %shift_right_logical3A_242 : i32 to vector<16xi32>
        %shift_right_logical3A_244 = arith.shrui %mul3A_219, %shift_right_logical3A_243 : vector<16xi32>
        %add3A_245 = arith.addi %mul3A_223, %shift_right_logical3A_244 : vector<16xi32>
        %shift_right_logical3A_246 = arith.constant 16 : i32
        %shift_right_logical3A_247 = vector.broadcast %shift_right_logical3A_246 : i32 to vector<16xi32>
        %shift_right_logical3A_248 = arith.shrui %mul3A_221, %shift_right_logical3A_247 : vector<16xi32>
        %add3A_249 = arith.addi %add3A_245, %shift_right_logical3A_248 : vector<16xi32>
        %shift_right_logical3A_250 = arith.constant 16 : i32
        %shift_right_logical3A_251 = vector.broadcast %shift_right_logical3A_250 : i32 to vector<16xi32>
        %shift_right_logical3A_252 = arith.shrui %add3A_234, %shift_right_logical3A_251 : vector<16xi32>
        %add3A_253 = arith.addi %add3A_249, %shift_right_logical3A_252 : vector<16xi32>
        %add3A_254 = arith.addi %or3A_241, %add3A_202 : vector<16xi32>
        %lt3A_255 = arith.cmpi ult, %add3A_254, %or3A_241 : vector<16xi32>
        %convert_element_type3A_256 = arith.extui %lt3A_255 : vector<16xi1> to vector<16xi32>
        %add3A_257 = arith.addi %add3A_253, %convert_element_type3A_256 : vector<16xi32>
        %mul3A_258 = arith.constant 971590 : i32
        %mul3A_259 = vector.broadcast %mul3A_258 : i32 to vector<16xi32>
        %mul3A_260 = arith.muli %add3A_257, %mul3A_259 : vector<16xi32>
        %and3A_261 = arith.constant 65535 : i32
        %and3A_262 = vector.broadcast %and3A_261 : i32 to vector<16xi32>
        %and3A_263 = arith.andi %add3A_254, %and3A_262 : vector<16xi32>
        %shift_right_logical3A_264 = arith.constant 16 : i32
        %shift_right_logical3A_265 = vector.broadcast %shift_right_logical3A_264 : i32 to vector<16xi32>
        %shift_right_logical3A_266 = arith.shrui %add3A_254, %shift_right_logical3A_265 : vector<16xi32>
        %and3A_267 = arith.constant 1125901033 : i32
        %and3A_268 = arith.constant 65535 : i32
        %and3A_269 = arith.andi %and3A_267, %and3A_268 : i32
        %shift_right_logical3A_270 = arith.constant 1125901033 : i32
        %shift_right_logical3A_271 = arith.constant 16 : i32
        %shift_right_logical3A_272 = arith.shrui %shift_right_logical3A_270, %shift_right_logical3A_271 : i32
        %mul3A_273 = vector.broadcast %and3A_269 : i32 to vector<16xi32>
        %mul3A_274 = arith.muli %and3A_263, %mul3A_273 : vector<16xi32>
        %mul3A_275 = vector.broadcast %shift_right_logical3A_272 : i32 to vector<16xi32>
        %mul3A_276 = arith.muli %and3A_263, %mul3A_275 : vector<16xi32>
        %mul3A_277 = vector.broadcast %and3A_269 : i32 to vector<16xi32>
        %mul3A_278 = arith.muli %shift_right_logical3A_266, %mul3A_277 : vector<16xi32>
        %mul3A_279 = vector.broadcast %shift_right_logical3A_272 : i32 to vector<16xi32>
        %mul3A_280 = arith.muli %shift_right_logical3A_266, %mul3A_279 : vector<16xi32>
        %shift_right_logical3A_281 = arith.constant 16 : i32
        %shift_right_logical3A_282 = vector.broadcast %shift_right_logical3A_281 : i32 to vector<16xi32>
        %shift_right_logical3A_283 = arith.shrui %mul3A_274, %shift_right_logical3A_282 : vector<16xi32>
        %and3A_284 = arith.constant 65535 : i32
        %and3A_285 = vector.broadcast %and3A_284 : i32 to vector<16xi32>
        %and3A_286 = arith.andi %mul3A_276, %and3A_285 : vector<16xi32>
        %add3A_287 = arith.addi %shift_right_logical3A_283, %and3A_286 : vector<16xi32>
        %and3A_288 = arith.constant 65535 : i32
        %and3A_289 = vector.broadcast %and3A_288 : i32 to vector<16xi32>
        %and3A_290 = arith.andi %mul3A_278, %and3A_289 : vector<16xi32>
        %add3A_291 = arith.addi %add3A_287, %and3A_290 : vector<16xi32>
        %and3A_292 = arith.constant 65535 : i32
        %and3A_293 = vector.broadcast %and3A_292 : i32 to vector<16xi32>
        %and3A_294 = arith.andi %mul3A_274, %and3A_293 : vector<16xi32>
        %shift_left3A_295 = arith.constant 16 : i32
        %shift_left3A_296 = vector.broadcast %shift_left3A_295 : i32 to vector<16xi32>
        %shift_left3A_297 = arith.shli %add3A_291, %shift_left3A_296 : vector<16xi32>
        %or3A_298 = arith.ori %and3A_294, %shift_left3A_297 : vector<16xi32>
        %shift_right_logical3A_299 = arith.constant 16 : i32
        %shift_right_logical3A_300 = vector.broadcast %shift_right_logical3A_299 : i32 to vector<16xi32>
        %shift_right_logical3A_301 = arith.shrui %mul3A_276, %shift_right_logical3A_300 : vector<16xi32>
        %add3A_302 = arith.addi %mul3A_280, %shift_right_logical3A_301 : vector<16xi32>
        %shift_right_logical3A_303 = arith.constant 16 : i32
        %shift_right_logical3A_304 = vector.broadcast %shift_right_logical3A_303 : i32 to vector<16xi32>
        %shift_right_logical3A_305 = arith.shrui %mul3A_278, %shift_right_logical3A_304 : vector<16xi32>
        %add3A_306 = arith.addi %add3A_302, %shift_right_logical3A_305 : vector<16xi32>
        %shift_right_logical3A_307 = arith.constant 16 : i32
        %shift_right_logical3A_308 = vector.broadcast %shift_right_logical3A_307 : i32 to vector<16xi32>
        %shift_right_logical3A_309 = arith.shrui %add3A_291, %shift_right_logical3A_308 : vector<16xi32>
        %add3A_310 = arith.addi %add3A_306, %shift_right_logical3A_309 : vector<16xi32>
        %shift_right_logical3A_311 = arith.constant 18 : i32
        %shift_right_logical3A_312 = vector.broadcast %shift_right_logical3A_311 : i32 to vector<16xi32>
        %shift_right_logical3A_313 = arith.shrui %add3A_310, %shift_right_logical3A_312 : vector<16xi32>
        %mul3A_314 = arith.constant 999999 : i32
        %mul3A_315 = vector.broadcast %mul3A_314 : i32 to vector<16xi32>
        %mul3A_316 = arith.muli %shift_right_logical3A_313, %mul3A_315 : vector<16xi32>
        %sub3A = arith.subi %add3A_254, %mul3A_316 : vector<16xi32>
        %add3A_317 = arith.addi %mul3A_260, %sub3A : vector<16xi32>
        %and3A_318 = arith.constant 65535 : i32
        %and3A_319 = vector.broadcast %and3A_318 : i32 to vector<16xi32>
        %and3A_320 = arith.andi %add3A_317, %and3A_319 : vector<16xi32>
        %shift_right_logical3A_321 = arith.constant 16 : i32
        %shift_right_logical3A_322 = vector.broadcast %shift_right_logical3A_321 : i32 to vector<16xi32>
        %shift_right_logical3A_323 = arith.shrui %add3A_317, %shift_right_logical3A_322 : vector<16xi32>
        %and3A_324 = arith.constant 1125901033 : i32
        %and3A_325 = arith.constant 65535 : i32
        %and3A_326 = arith.andi %and3A_324, %and3A_325 : i32
        %shift_right_logical3A_327 = arith.constant 1125901033 : i32
        %shift_right_logical3A_328 = arith.constant 16 : i32
        %shift_right_logical3A_329 = arith.shrui %shift_right_logical3A_327, %shift_right_logical3A_328 : i32
        %mul3A_330 = vector.broadcast %and3A_326 : i32 to vector<16xi32>
        %mul3A_331 = arith.muli %and3A_320, %mul3A_330 : vector<16xi32>
        %mul3A_332 = vector.broadcast %shift_right_logical3A_329 : i32 to vector<16xi32>
        %mul3A_333 = arith.muli %and3A_320, %mul3A_332 : vector<16xi32>
        %mul3A_334 = vector.broadcast %and3A_326 : i32 to vector<16xi32>
        %mul3A_335 = arith.muli %shift_right_logical3A_323, %mul3A_334 : vector<16xi32>
        %mul3A_336 = vector.broadcast %shift_right_logical3A_329 : i32 to vector<16xi32>
        %mul3A_337 = arith.muli %shift_right_logical3A_323, %mul3A_336 : vector<16xi32>
        %shift_right_logical3A_338 = arith.constant 16 : i32
        %shift_right_logical3A_339 = vector.broadcast %shift_right_logical3A_338 : i32 to vector<16xi32>
        %shift_right_logical3A_340 = arith.shrui %mul3A_331, %shift_right_logical3A_339 : vector<16xi32>
        %and3A_341 = arith.constant 65535 : i32
        %and3A_342 = vector.broadcast %and3A_341 : i32 to vector<16xi32>
        %and3A_343 = arith.andi %mul3A_333, %and3A_342 : vector<16xi32>
        %add3A_344 = arith.addi %shift_right_logical3A_340, %and3A_343 : vector<16xi32>
        %and3A_345 = arith.constant 65535 : i32
        %and3A_346 = vector.broadcast %and3A_345 : i32 to vector<16xi32>
        %and3A_347 = arith.andi %mul3A_335, %and3A_346 : vector<16xi32>
        %add3A_348 = arith.addi %add3A_344, %and3A_347 : vector<16xi32>
        %and3A_349 = arith.constant 65535 : i32
        %and3A_350 = vector.broadcast %and3A_349 : i32 to vector<16xi32>
        %and3A_351 = arith.andi %mul3A_331, %and3A_350 : vector<16xi32>
        %shift_left3A_352 = arith.constant 16 : i32
        %shift_left3A_353 = vector.broadcast %shift_left3A_352 : i32 to vector<16xi32>
        %shift_left3A_354 = arith.shli %add3A_348, %shift_left3A_353 : vector<16xi32>
        %or3A_355 = arith.ori %and3A_351, %shift_left3A_354 : vector<16xi32>
        %shift_right_logical3A_356 = arith.constant 16 : i32
        %shift_right_logical3A_357 = vector.broadcast %shift_right_logical3A_356 : i32 to vector<16xi32>
        %shift_right_logical3A_358 = arith.shrui %mul3A_333, %shift_right_logical3A_357 : vector<16xi32>
        %add3A_359 = arith.addi %mul3A_337, %shift_right_logical3A_358 : vector<16xi32>
        %shift_right_logical3A_360 = arith.constant 16 : i32
        %shift_right_logical3A_361 = vector.broadcast %shift_right_logical3A_360 : i32 to vector<16xi32>
        %shift_right_logical3A_362 = arith.shrui %mul3A_335, %shift_right_logical3A_361 : vector<16xi32>
        %add3A_363 = arith.addi %add3A_359, %shift_right_logical3A_362 : vector<16xi32>
        %shift_right_logical3A_364 = arith.constant 16 : i32
        %shift_right_logical3A_365 = vector.broadcast %shift_right_logical3A_364 : i32 to vector<16xi32>
        %shift_right_logical3A_366 = arith.shrui %add3A_348, %shift_right_logical3A_365 : vector<16xi32>
        %add3A_367 = arith.addi %add3A_363, %shift_right_logical3A_366 : vector<16xi32>
        %shift_right_logical3A_368 = arith.constant 18 : i32
        %shift_right_logical3A_369 = vector.broadcast %shift_right_logical3A_368 : i32 to vector<16xi32>
        %shift_right_logical3A_370 = arith.shrui %add3A_367, %shift_right_logical3A_369 : vector<16xi32>
        %mul3A_371 = arith.constant 999999 : i32
        %mul3A_372 = vector.broadcast %mul3A_371 : i32 to vector<16xi32>
        %mul3A_373 = arith.muli %shift_right_logical3A_370, %mul3A_372 : vector<16xi32>
        %sub3A_374 = arith.subi %add3A_317, %mul3A_373 : vector<16xi32>
        %add3A_375 = arith.constant 1 : i32
        %add3A_376 = vector.broadcast %add3A_375 : i32 to vector<16xi32>
        %add3A_377 = arith.addi %sub3A_374, %add3A_376 : vector<16xi32>
        %ne3A = arith.constant 0 : i32
        %ne3A_378 = vector.broadcast %ne3A : i32 to vector<16xi32>
        %ne3A_379 = arith.cmpi ne, %bitcast3A, %ne3A_378 : vector<16xi32>
        %convert_element_type3A_380 = arith.extui %ne3A_379 : vector<16xi1> to vector<16xi32>
        %mul3A_381 = arith.muli %add3A_377, %convert_element_type3A_380 : vector<16xi32>
        %bitcast3A_382 = vector.bitcast %mul3A_381 : vector<16xi32> to vector<16xi32>
        tpu.vector_store_idx %arg5[%while3A_35, %while3A_36], %bitcast3A_382 : memref<64x200xi32, #tpu.memory_space<vmem>>[vector<16xi32>, vector<16xi32>], vector<16xi32>,
        %add3A_383 = arith.constant 16 : i32
        %add3A_384 = vector.broadcast %add3A_383 : i32 to vector<16xi32>
        %add3A_385 = arith.addi %while3A_36, %add3A_384 : vector<16xi32>
        %ge3A = arith.constant 200 : i32
        %ge3A_386 = vector.broadcast %ge3A : i32 to vector<16xi32>
        %ge3A_387 = arith.cmpi sge, %add3A_385, %ge3A_386 : vector<16xi32>
        %convert_element_type3A_388 = arith.extui %ge3A_387 : vector<16xi1> to vector<16xi32>
        %add3A_389 = arith.addi %while3A_35, %convert_element_type3A_388 : vector<16xi32>
        %mul3A_390 = arith.constant 200 : i32
        %mul3A_391 = vector.broadcast %mul3A_390 : i32 to vector<16xi32>
        %mul3A_392 = arith.muli %convert_element_type3A_388, %mul3A_391 : vector<16xi32>
        %sub3A_393 = arith.subi %add3A_385, %mul3A_392 : vector<16xi32>
        scf.yield %add3A_389, %sub3A_393 : vector<16xi32>, vector<16xi32>
      }
      "tpu.region"() ({
        %run_scoped3A = tpu.sem_alloc : memref<!tpu.dma_semaphore, #tpu.memory_space<semaphore_mem>>
        %dma_start3A = arith.constant 0 : i32
        %dma_start3A_34 = tpu.memref_slice %arg3[%add3A_19, %dma_start3A] : memref<4096x200xi32, #tpu.memory_space<hbm>> -> memref<64x200xi32, #tpu.memory_space<hbm>>
        %dma_start3A_35 = arith.constant 0 : i32
        %dma_start3A_36 = tpu.memref_slice %arg3[%add3A_19, %dma_start3A_35] : memref<4096x200xi32, #tpu.memory_space<hbm>> -> memref<64x200xi32, #tpu.memory_space<hbm>>
        tpu.enqueue_dma source(%arg5 : memref<64x200xi32, #tpu.memory_space<vmem>>) target(%dma_start3A_36 : memref<64x200xi32, #tpu.memory_space<hbm>>) target_semaphore(%run_scoped3A : memref<!tpu.dma_semaphore, #tpu.memory_space<semaphore_mem>>)
        %dma_wait3A = arith.constant 0 : i32
        %dma_wait3A_37 = tpu.memref_slice %arg3[%add3A_19, %dma_wait3A] : memref<4096x200xi32, #tpu.memory_space<hbm>> -> memref<64x200xi32, #tpu.memory_space<hbm>>
        %dma_wait3A_38 = arith.constant 0 : i32
        %dma_wait3A_39 = tpu.memref_slice %arg3[%add3A_19, %dma_wait3A_38] : memref<4096x200xi32, #tpu.memory_space<hbm>> -> memref<64x200xi32, #tpu.memory_space<hbm>>
        tpu.wait_dma2 semaphore(%run_scoped3A : memref<!tpu.dma_semaphore, #tpu.memory_space<semaphore_mem>>) src(%arg5 : memref<64x200xi32, #tpu.memory_space<vmem>>) dst(%dma_wait3A_39 : memref<64x200xi32, #tpu.memory_space<hbm>>)
        tpu.yield
      }) : () -> ()
      %while3A_33 = arith.constant 0 : i32
      scf.yield %while3A_33 : i32
    }
    return
  }
}

module attributes {stable_mosaic.version = 14 : i64} {
  func.func @_tc_block(%arg0: i32, %arg1: memref<1024x200xi32, #tpu.memory_space<vmem>>, %arg2: memref<1024x200xi32, #tpu.memory_space<vmem>>) attributes {dimension_semantics = [#tpu.dimension_semantics<arbitrary>], iteration_bounds = array<i64: 12>, scalar_prefetch = 0 : i64, scratch_operands = 0 : i64, tpu.core_type = #tpu.core_type<tc>, window_params = [{transform_indices = @transform_0, window_bounds = array<i64: 1024, 200>}, {transform_indices = @transform_1, window_bounds = array<i64: 1024, 200>}]} {
    %get3A = arith.constant 0 : index
    %get3A_0 = arith.constant 0 : index
    %get3A_1 = vector.load %arg1[%get3A, %get3A_0] : memref<1024x200xi32, #tpu.memory_space<vmem>>, vector<1024x200xi32>
    %and3A = arith.constant 65535 : i32
    %and3A_2 = vector.broadcast %and3A : i32 to vector<1024x200xi32>
    %and3A_3 = arith.andi %get3A_1, %and3A_2 : vector<1024x200xi32>
    %shift_right_logical3A = arith.constant 16 : i32
    %shift_right_logical3A_4 = vector.broadcast %shift_right_logical3A : i32 to vector<1024x200xi32>
    %shift_right_logical3A_5 = arith.shrui %get3A_1, %shift_right_logical3A_4 : vector<1024x200xi32>
    %and3A_6 = arith.constant -313160499 : i32
    %and3A_7 = arith.constant 65535 : i32
    %and3A_8 = arith.andi %and3A_6, %and3A_7 : i32
    %shift_right_logical3A_9 = arith.constant -313160499 : i32
    %shift_right_logical3A_10 = arith.constant 16 : i32
    %shift_right_logical3A_11 = arith.shrui %shift_right_logical3A_9, %shift_right_logical3A_10 : i32
    %mul3A = vector.broadcast %and3A_8 : i32 to vector<1024x200xi32>
    %mul3A_12 = arith.muli %and3A_3, %mul3A : vector<1024x200xi32>
    %mul3A_13 = vector.broadcast %shift_right_logical3A_11 : i32 to vector<1024x200xi32>
    %mul3A_14 = arith.muli %and3A_3, %mul3A_13 : vector<1024x200xi32>
    %mul3A_15 = vector.broadcast %and3A_8 : i32 to vector<1024x200xi32>
    %mul3A_16 = arith.muli %shift_right_logical3A_5, %mul3A_15 : vector<1024x200xi32>
    %mul3A_17 = vector.broadcast %shift_right_logical3A_11 : i32 to vector<1024x200xi32>
    %mul3A_18 = arith.muli %shift_right_logical3A_5, %mul3A_17 : vector<1024x200xi32>
    %shift_right_logical3A_19 = arith.constant 16 : i32
    %shift_right_logical3A_20 = vector.broadcast %shift_right_logical3A_19 : i32 to vector<1024x200xi32>
    %shift_right_logical3A_21 = arith.shrui %mul3A_12, %shift_right_logical3A_20 : vector<1024x200xi32>
    %and3A_22 = arith.constant 65535 : i32
    %and3A_23 = vector.broadcast %and3A_22 : i32 to vector<1024x200xi32>
    %and3A_24 = arith.andi %mul3A_14, %and3A_23 : vector<1024x200xi32>
    %add3A = arith.addi %shift_right_logical3A_21, %and3A_24 : vector<1024x200xi32>
    %and3A_25 = arith.constant 65535 : i32
    %and3A_26 = vector.broadcast %and3A_25 : i32 to vector<1024x200xi32>
    %and3A_27 = arith.andi %mul3A_16, %and3A_26 : vector<1024x200xi32>
    %add3A_28 = arith.addi %add3A, %and3A_27 : vector<1024x200xi32>
    %and3A_29 = arith.constant 65535 : i32
    %and3A_30 = vector.broadcast %and3A_29 : i32 to vector<1024x200xi32>
    %and3A_31 = arith.andi %mul3A_12, %and3A_30 : vector<1024x200xi32>
    %shift_left3A = arith.constant 16 : i32
    %shift_left3A_32 = vector.broadcast %shift_left3A : i32 to vector<1024x200xi32>
    %shift_left3A_33 = arith.shli %add3A_28, %shift_left3A_32 : vector<1024x200xi32>
    %or3A = arith.ori %and3A_31, %shift_left3A_33 : vector<1024x200xi32>
    %shift_right_logical3A_34 = arith.constant 16 : i32
    %shift_right_logical3A_35 = vector.broadcast %shift_right_logical3A_34 : i32 to vector<1024x200xi32>
    %shift_right_logical3A_36 = arith.shrui %mul3A_14, %shift_right_logical3A_35 : vector<1024x200xi32>
    %add3A_37 = arith.addi %mul3A_18, %shift_right_logical3A_36 : vector<1024x200xi32>
    %shift_right_logical3A_38 = arith.constant 16 : i32
    %shift_right_logical3A_39 = vector.broadcast %shift_right_logical3A_38 : i32 to vector<1024x200xi32>
    %shift_right_logical3A_40 = arith.shrui %mul3A_16, %shift_right_logical3A_39 : vector<1024x200xi32>
    %add3A_41 = arith.addi %add3A_37, %shift_right_logical3A_40 : vector<1024x200xi32>
    %shift_right_logical3A_42 = arith.constant 16 : i32
    %shift_right_logical3A_43 = vector.broadcast %shift_right_logical3A_42 : i32 to vector<1024x200xi32>
    %shift_right_logical3A_44 = arith.shrui %add3A_28, %shift_right_logical3A_43 : vector<1024x200xi32>
    %add3A_45 = arith.addi %add3A_41, %shift_right_logical3A_44 : vector<1024x200xi32>
    %mul3A_46 = arith.constant -11423785 : i32
    %mul3A_47 = vector.broadcast %mul3A_46 : i32 to vector<1024x200xi32>
    %mul3A_48 = arith.muli %get3A_1, %mul3A_47 : vector<1024x200xi32>
    %add3A_49 = arith.addi %add3A_45, %mul3A_48 : vector<1024x200xi32>
    %shift_right_logical3A_50 = arith.constant 1 : i32
    %shift_right_logical3A_51 = vector.broadcast %shift_right_logical3A_50 : i32 to vector<1024x200xi32>
    %shift_right_logical3A_52 = arith.shrui %add3A_49, %shift_right_logical3A_51 : vector<1024x200xi32>
    %xor3A = arith.xori %or3A, %shift_right_logical3A_52 : vector<1024x200xi32>
    %and3A_53 = arith.constant 65535 : i32
    %and3A_54 = vector.broadcast %and3A_53 : i32 to vector<1024x200xi32>
    %and3A_55 = arith.andi %xor3A, %and3A_54 : vector<1024x200xi32>
    %shift_right_logical3A_56 = arith.constant 16 : i32
    %shift_right_logical3A_57 = vector.broadcast %shift_right_logical3A_56 : i32 to vector<1024x200xi32>
    %shift_right_logical3A_58 = arith.shrui %xor3A, %shift_right_logical3A_57 : vector<1024x200xi32>
    %and3A_59 = arith.constant 444984403 : i32
    %and3A_60 = arith.constant 65535 : i32
    %and3A_61 = arith.andi %and3A_59, %and3A_60 : i32
    %shift_right_logical3A_62 = arith.constant 444984403 : i32
    %shift_right_logical3A_63 = arith.constant 16 : i32
    %shift_right_logical3A_64 = arith.shrui %shift_right_logical3A_62, %shift_right_logical3A_63 : i32
    %mul3A_65 = vector.broadcast %and3A_61 : i32 to vector<1024x200xi32>
    %mul3A_66 = arith.muli %and3A_55, %mul3A_65 : vector<1024x200xi32>
    %mul3A_67 = vector.broadcast %shift_right_logical3A_64 : i32 to vector<1024x200xi32>
    %mul3A_68 = arith.muli %and3A_55, %mul3A_67 : vector<1024x200xi32>
    %mul3A_69 = vector.broadcast %and3A_61 : i32 to vector<1024x200xi32>
    %mul3A_70 = arith.muli %shift_right_logical3A_58, %mul3A_69 : vector<1024x200xi32>
    %mul3A_71 = vector.broadcast %shift_right_logical3A_64 : i32 to vector<1024x200xi32>
    %mul3A_72 = arith.muli %shift_right_logical3A_58, %mul3A_71 : vector<1024x200xi32>
    %shift_right_logical3A_73 = arith.constant 16 : i32
    %shift_right_logical3A_74 = vector.broadcast %shift_right_logical3A_73 : i32 to vector<1024x200xi32>
    %shift_right_logical3A_75 = arith.shrui %mul3A_66, %shift_right_logical3A_74 : vector<1024x200xi32>
    %and3A_76 = arith.constant 65535 : i32
    %and3A_77 = vector.broadcast %and3A_76 : i32 to vector<1024x200xi32>
    %and3A_78 = arith.andi %mul3A_68, %and3A_77 : vector<1024x200xi32>
    %add3A_79 = arith.addi %shift_right_logical3A_75, %and3A_78 : vector<1024x200xi32>
    %and3A_80 = arith.constant 65535 : i32
    %and3A_81 = vector.broadcast %and3A_80 : i32 to vector<1024x200xi32>
    %and3A_82 = arith.andi %mul3A_70, %and3A_81 : vector<1024x200xi32>
    %add3A_83 = arith.addi %add3A_79, %and3A_82 : vector<1024x200xi32>
    %and3A_84 = arith.constant 65535 : i32
    %and3A_85 = vector.broadcast %and3A_84 : i32 to vector<1024x200xi32>
    %and3A_86 = arith.andi %mul3A_66, %and3A_85 : vector<1024x200xi32>
    %shift_left3A_87 = arith.constant 16 : i32
    %shift_left3A_88 = vector.broadcast %shift_left3A_87 : i32 to vector<1024x200xi32>
    %shift_left3A_89 = arith.shli %add3A_83, %shift_left3A_88 : vector<1024x200xi32>
    %or3A_90 = arith.ori %and3A_86, %shift_left3A_89 : vector<1024x200xi32>
    %shift_right_logical3A_91 = arith.constant 16 : i32
    %shift_right_logical3A_92 = vector.broadcast %shift_right_logical3A_91 : i32 to vector<1024x200xi32>
    %shift_right_logical3A_93 = arith.shrui %mul3A_68, %shift_right_logical3A_92 : vector<1024x200xi32>
    %add3A_94 = arith.addi %mul3A_72, %shift_right_logical3A_93 : vector<1024x200xi32>
    %shift_right_logical3A_95 = arith.constant 16 : i32
    %shift_right_logical3A_96 = vector.broadcast %shift_right_logical3A_95 : i32 to vector<1024x200xi32>
    %shift_right_logical3A_97 = arith.shrui %mul3A_70, %shift_right_logical3A_96 : vector<1024x200xi32>
    %add3A_98 = arith.addi %add3A_94, %shift_right_logical3A_97 : vector<1024x200xi32>
    %shift_right_logical3A_99 = arith.constant 16 : i32
    %shift_right_logical3A_100 = vector.broadcast %shift_right_logical3A_99 : i32 to vector<1024x200xi32>
    %shift_right_logical3A_101 = arith.shrui %add3A_83, %shift_right_logical3A_100 : vector<1024x200xi32>
    %add3A_102 = arith.addi %add3A_98, %shift_right_logical3A_101 : vector<1024x200xi32>
    %mul3A_103 = arith.constant -993084930 : i32
    %mul3A_104 = vector.broadcast %mul3A_103 : i32 to vector<1024x200xi32>
    %mul3A_105 = arith.muli %xor3A, %mul3A_104 : vector<1024x200xi32>
    %add3A_106 = arith.addi %add3A_102, %mul3A_105 : vector<1024x200xi32>
    %mul3A_107 = arith.constant 444984403 : i32
    %mul3A_108 = vector.broadcast %mul3A_107 : i32 to vector<1024x200xi32>
    %mul3A_109 = arith.muli %add3A_49, %mul3A_108 : vector<1024x200xi32>
    %add3A_110 = arith.addi %add3A_106, %mul3A_109 : vector<1024x200xi32>
    %shift_right_logical3A_111 = arith.constant 1 : i32
    %shift_right_logical3A_112 = vector.broadcast %shift_right_logical3A_111 : i32 to vector<1024x200xi32>
    %shift_right_logical3A_113 = arith.shrui %add3A_110, %shift_right_logical3A_112 : vector<1024x200xi32>
    %xor3A_114 = arith.xori %or3A_90, %shift_right_logical3A_113 : vector<1024x200xi32>
    %and3A_115 = arith.constant 65535 : i32
    %and3A_116 = vector.broadcast %and3A_115 : i32 to vector<1024x200xi32>
    %and3A_117 = arith.andi %add3A_110, %and3A_116 : vector<1024x200xi32>
    %shift_right_logical3A_118 = arith.constant 16 : i32
    %shift_right_logical3A_119 = vector.broadcast %shift_right_logical3A_118 : i32 to vector<1024x200xi32>
    %shift_right_logical3A_120 = arith.shrui %add3A_110, %shift_right_logical3A_119 : vector<1024x200xi32>
    %and3A_121 = arith.constant 971590 : i32
    %and3A_122 = arith.constant 65535 : i32
    %and3A_123 = arith.andi %and3A_121, %and3A_122 : i32
    %shift_right_logical3A_124 = arith.constant 971590 : i32
    %shift_right_logical3A_125 = arith.constant 16 : i32
    %shift_right_logical3A_126 = arith.shrui %shift_right_logical3A_124, %shift_right_logical3A_125 : i32
    %mul3A_127 = vector.broadcast %and3A_123 : i32 to vector<1024x200xi32>
    %mul3A_128 = arith.muli %and3A_117, %mul3A_127 : vector<1024x200xi32>
    %mul3A_129 = vector.broadcast %shift_right_logical3A_126 : i32 to vector<1024x200xi32>
    %mul3A_130 = arith.muli %and3A_117, %mul3A_129 : vector<1024x200xi32>
    %mul3A_131 = vector.broadcast %and3A_123 : i32 to vector<1024x200xi32>
    %mul3A_132 = arith.muli %shift_right_logical3A_120, %mul3A_131 : vector<1024x200xi32>
    %mul3A_133 = vector.broadcast %shift_right_logical3A_126 : i32 to vector<1024x200xi32>
    %mul3A_134 = arith.muli %shift_right_logical3A_120, %mul3A_133 : vector<1024x200xi32>
    %shift_right_logical3A_135 = arith.constant 16 : i32
    %shift_right_logical3A_136 = vector.broadcast %shift_right_logical3A_135 : i32 to vector<1024x200xi32>
    %shift_right_logical3A_137 = arith.shrui %mul3A_128, %shift_right_logical3A_136 : vector<1024x200xi32>
    %and3A_138 = arith.constant 65535 : i32
    %and3A_139 = vector.broadcast %and3A_138 : i32 to vector<1024x200xi32>
    %and3A_140 = arith.andi %mul3A_130, %and3A_139 : vector<1024x200xi32>
    %add3A_141 = arith.addi %shift_right_logical3A_137, %and3A_140 : vector<1024x200xi32>
    %and3A_142 = arith.constant 65535 : i32
    %and3A_143 = vector.broadcast %and3A_142 : i32 to vector<1024x200xi32>
    %and3A_144 = arith.andi %mul3A_132, %and3A_143 : vector<1024x200xi32>
    %add3A_145 = arith.addi %add3A_141, %and3A_144 : vector<1024x200xi32>
    %and3A_146 = arith.constant 65535 : i32
    %and3A_147 = vector.broadcast %and3A_146 : i32 to vector<1024x200xi32>
    %and3A_148 = arith.andi %mul3A_128, %and3A_147 : vector<1024x200xi32>
    %shift_left3A_149 = arith.constant 16 : i32
    %shift_left3A_150 = vector.broadcast %shift_left3A_149 : i32 to vector<1024x200xi32>
    %shift_left3A_151 = arith.shli %add3A_145, %shift_left3A_150 : vector<1024x200xi32>
    %or3A_152 = arith.ori %and3A_148, %shift_left3A_151 : vector<1024x200xi32>
    %shift_right_logical3A_153 = arith.constant 16 : i32
    %shift_right_logical3A_154 = vector.broadcast %shift_right_logical3A_153 : i32 to vector<1024x200xi32>
    %shift_right_logical3A_155 = arith.shrui %mul3A_130, %shift_right_logical3A_154 : vector<1024x200xi32>
    %add3A_156 = arith.addi %mul3A_134, %shift_right_logical3A_155 : vector<1024x200xi32>
    %shift_right_logical3A_157 = arith.constant 16 : i32
    %shift_right_logical3A_158 = vector.broadcast %shift_right_logical3A_157 : i32 to vector<1024x200xi32>
    %shift_right_logical3A_159 = arith.shrui %mul3A_132, %shift_right_logical3A_158 : vector<1024x200xi32>
    %add3A_160 = arith.addi %add3A_156, %shift_right_logical3A_159 : vector<1024x200xi32>
    %shift_right_logical3A_161 = arith.constant 16 : i32
    %shift_right_logical3A_162 = vector.broadcast %shift_right_logical3A_161 : i32 to vector<1024x200xi32>
    %shift_right_logical3A_163 = arith.shrui %add3A_145, %shift_right_logical3A_162 : vector<1024x200xi32>
    %add3A_164 = arith.addi %add3A_160, %shift_right_logical3A_163 : vector<1024x200xi32>
    %add3A_165 = arith.addi %or3A_152, %xor3A_114 : vector<1024x200xi32>
    %lt3A = arith.cmpi ult, %add3A_165, %or3A_152 : vector<1024x200xi32>
    %convert_element_type3A = arith.extui %lt3A : vector<1024x200xi1> to vector<1024x200xi32>
    %add3A_166 = arith.addi %add3A_164, %convert_element_type3A : vector<1024x200xi32>
    %and3A_167 = arith.constant 65535 : i32
    %and3A_168 = vector.broadcast %and3A_167 : i32 to vector<1024x200xi32>
    %and3A_169 = arith.andi %add3A_166, %and3A_168 : vector<1024x200xi32>
    %shift_right_logical3A_170 = arith.constant 16 : i32
    %shift_right_logical3A_171 = vector.broadcast %shift_right_logical3A_170 : i32 to vector<1024x200xi32>
    %shift_right_logical3A_172 = arith.shrui %add3A_166, %shift_right_logical3A_171 : vector<1024x200xi32>
    %and3A_173 = arith.constant 971590 : i32
    %and3A_174 = arith.constant 65535 : i32
    %and3A_175 = arith.andi %and3A_173, %and3A_174 : i32
    %shift_right_logical3A_176 = arith.constant 971590 : i32
    %shift_right_logical3A_177 = arith.constant 16 : i32
    %shift_right_logical3A_178 = arith.shrui %shift_right_logical3A_176, %shift_right_logical3A_177 : i32
    %mul3A_179 = vector.broadcast %and3A_175 : i32 to vector<1024x200xi32>
    %mul3A_180 = arith.muli %and3A_169, %mul3A_179 : vector<1024x200xi32>
    %mul3A_181 = vector.broadcast %shift_right_logical3A_178 : i32 to vector<1024x200xi32>
    %mul3A_182 = arith.muli %and3A_169, %mul3A_181 : vector<1024x200xi32>
    %mul3A_183 = vector.broadcast %and3A_175 : i32 to vector<1024x200xi32>
    %mul3A_184 = arith.muli %shift_right_logical3A_172, %mul3A_183 : vector<1024x200xi32>
    %mul3A_185 = vector.broadcast %shift_right_logical3A_178 : i32 to vector<1024x200xi32>
    %mul3A_186 = arith.muli %shift_right_logical3A_172, %mul3A_185 : vector<1024x200xi32>
    %shift_right_logical3A_187 = arith.constant 16 : i32
    %shift_right_logical3A_188 = vector.broadcast %shift_right_logical3A_187 : i32 to vector<1024x200xi32>
    %shift_right_logical3A_189 = arith.shrui %mul3A_180, %shift_right_logical3A_188 : vector<1024x200xi32>
    %and3A_190 = arith.constant 65535 : i32
    %and3A_191 = vector.broadcast %and3A_190 : i32 to vector<1024x200xi32>
    %and3A_192 = arith.andi %mul3A_182, %and3A_191 : vector<1024x200xi32>
    %add3A_193 = arith.addi %shift_right_logical3A_189, %and3A_192 : vector<1024x200xi32>
    %and3A_194 = arith.constant 65535 : i32
    %and3A_195 = vector.broadcast %and3A_194 : i32 to vector<1024x200xi32>
    %and3A_196 = arith.andi %mul3A_184, %and3A_195 : vector<1024x200xi32>
    %add3A_197 = arith.addi %add3A_193, %and3A_196 : vector<1024x200xi32>
    %and3A_198 = arith.constant 65535 : i32
    %and3A_199 = vector.broadcast %and3A_198 : i32 to vector<1024x200xi32>
    %and3A_200 = arith.andi %mul3A_180, %and3A_199 : vector<1024x200xi32>
    %shift_left3A_201 = arith.constant 16 : i32
    %shift_left3A_202 = vector.broadcast %shift_left3A_201 : i32 to vector<1024x200xi32>
    %shift_left3A_203 = arith.shli %add3A_197, %shift_left3A_202 : vector<1024x200xi32>
    %or3A_204 = arith.ori %and3A_200, %shift_left3A_203 : vector<1024x200xi32>
    %shift_right_logical3A_205 = arith.constant 16 : i32
    %shift_right_logical3A_206 = vector.broadcast %shift_right_logical3A_205 : i32 to vector<1024x200xi32>
    %shift_right_logical3A_207 = arith.shrui %mul3A_182, %shift_right_logical3A_206 : vector<1024x200xi32>
    %add3A_208 = arith.addi %mul3A_186, %shift_right_logical3A_207 : vector<1024x200xi32>
    %shift_right_logical3A_209 = arith.constant 16 : i32
    %shift_right_logical3A_210 = vector.broadcast %shift_right_logical3A_209 : i32 to vector<1024x200xi32>
    %shift_right_logical3A_211 = arith.shrui %mul3A_184, %shift_right_logical3A_210 : vector<1024x200xi32>
    %add3A_212 = arith.addi %add3A_208, %shift_right_logical3A_211 : vector<1024x200xi32>
    %shift_right_logical3A_213 = arith.constant 16 : i32
    %shift_right_logical3A_214 = vector.broadcast %shift_right_logical3A_213 : i32 to vector<1024x200xi32>
    %shift_right_logical3A_215 = arith.shrui %add3A_197, %shift_right_logical3A_214 : vector<1024x200xi32>
    %add3A_216 = arith.addi %add3A_212, %shift_right_logical3A_215 : vector<1024x200xi32>
    %add3A_217 = arith.addi %or3A_204, %add3A_165 : vector<1024x200xi32>
    %lt3A_218 = arith.cmpi ult, %add3A_217, %or3A_204 : vector<1024x200xi32>
    %convert_element_type3A_219 = arith.extui %lt3A_218 : vector<1024x200xi1> to vector<1024x200xi32>
    %add3A_220 = arith.addi %add3A_216, %convert_element_type3A_219 : vector<1024x200xi32>
    %mul3A_221 = arith.constant 971590 : i32
    %mul3A_222 = vector.broadcast %mul3A_221 : i32 to vector<1024x200xi32>
    %mul3A_223 = arith.muli %add3A_220, %mul3A_222 : vector<1024x200xi32>
    %and3A_224 = arith.constant 65535 : i32
    %and3A_225 = vector.broadcast %and3A_224 : i32 to vector<1024x200xi32>
    %and3A_226 = arith.andi %add3A_217, %and3A_225 : vector<1024x200xi32>
    %shift_right_logical3A_227 = arith.constant 16 : i32
    %shift_right_logical3A_228 = vector.broadcast %shift_right_logical3A_227 : i32 to vector<1024x200xi32>
    %shift_right_logical3A_229 = arith.shrui %add3A_217, %shift_right_logical3A_228 : vector<1024x200xi32>
    %and3A_230 = arith.constant 1125901033 : i32
    %and3A_231 = arith.constant 65535 : i32
    %and3A_232 = arith.andi %and3A_230, %and3A_231 : i32
    %shift_right_logical3A_233 = arith.constant 1125901033 : i32
    %shift_right_logical3A_234 = arith.constant 16 : i32
    %shift_right_logical3A_235 = arith.shrui %shift_right_logical3A_233, %shift_right_logical3A_234 : i32
    %mul3A_236 = vector.broadcast %and3A_232 : i32 to vector<1024x200xi32>
    %mul3A_237 = arith.muli %and3A_226, %mul3A_236 : vector<1024x200xi32>
    %mul3A_238 = vector.broadcast %shift_right_logical3A_235 : i32 to vector<1024x200xi32>
    %mul3A_239 = arith.muli %and3A_226, %mul3A_238 : vector<1024x200xi32>
    %mul3A_240 = vector.broadcast %and3A_232 : i32 to vector<1024x200xi32>
    %mul3A_241 = arith.muli %shift_right_logical3A_229, %mul3A_240 : vector<1024x200xi32>
    %mul3A_242 = vector.broadcast %shift_right_logical3A_235 : i32 to vector<1024x200xi32>
    %mul3A_243 = arith.muli %shift_right_logical3A_229, %mul3A_242 : vector<1024x200xi32>
    %shift_right_logical3A_244 = arith.constant 16 : i32
    %shift_right_logical3A_245 = vector.broadcast %shift_right_logical3A_244 : i32 to vector<1024x200xi32>
    %shift_right_logical3A_246 = arith.shrui %mul3A_237, %shift_right_logical3A_245 : vector<1024x200xi32>
    %and3A_247 = arith.constant 65535 : i32
    %and3A_248 = vector.broadcast %and3A_247 : i32 to vector<1024x200xi32>
    %and3A_249 = arith.andi %mul3A_239, %and3A_248 : vector<1024x200xi32>
    %add3A_250 = arith.addi %shift_right_logical3A_246, %and3A_249 : vector<1024x200xi32>
    %and3A_251 = arith.constant 65535 : i32
    %and3A_252 = vector.broadcast %and3A_251 : i32 to vector<1024x200xi32>
    %and3A_253 = arith.andi %mul3A_241, %and3A_252 : vector<1024x200xi32>
    %add3A_254 = arith.addi %add3A_250, %and3A_253 : vector<1024x200xi32>
    %shift_right_logical3A_255 = arith.constant 16 : i32
    %shift_right_logical3A_256 = vector.broadcast %shift_right_logical3A_255 : i32 to vector<1024x200xi32>
    %shift_right_logical3A_257 = arith.shrui %mul3A_239, %shift_right_logical3A_256 : vector<1024x200xi32>
    %add3A_258 = arith.addi %mul3A_243, %shift_right_logical3A_257 : vector<1024x200xi32>
    %shift_right_logical3A_259 = arith.constant 16 : i32
    %shift_right_logical3A_260 = vector.broadcast %shift_right_logical3A_259 : i32 to vector<1024x200xi32>
    %shift_right_logical3A_261 = arith.shrui %mul3A_241, %shift_right_logical3A_260 : vector<1024x200xi32>
    %add3A_262 = arith.addi %add3A_258, %shift_right_logical3A_261 : vector<1024x200xi32>
    %shift_right_logical3A_263 = arith.constant 16 : i32
    %shift_right_logical3A_264 = vector.broadcast %shift_right_logical3A_263 : i32 to vector<1024x200xi32>
    %shift_right_logical3A_265 = arith.shrui %add3A_254, %shift_right_logical3A_264 : vector<1024x200xi32>
    %add3A_266 = arith.addi %add3A_262, %shift_right_logical3A_265 : vector<1024x200xi32>
    %shift_right_logical3A_267 = arith.constant 18 : i32
    %shift_right_logical3A_268 = vector.broadcast %shift_right_logical3A_267 : i32 to vector<1024x200xi32>
    %shift_right_logical3A_269 = arith.shrui %add3A_266, %shift_right_logical3A_268 : vector<1024x200xi32>
    %mul3A_270 = arith.constant 999999 : i32
    %mul3A_271 = vector.broadcast %mul3A_270 : i32 to vector<1024x200xi32>
    %mul3A_272 = arith.muli %shift_right_logical3A_269, %mul3A_271 : vector<1024x200xi32>
    %sub3A = arith.subi %add3A_217, %mul3A_272 : vector<1024x200xi32>
    %add3A_273 = arith.addi %mul3A_223, %sub3A : vector<1024x200xi32>
    %and3A_274 = arith.constant 65535 : i32
    %and3A_275 = vector.broadcast %and3A_274 : i32 to vector<1024x200xi32>
    %and3A_276 = arith.andi %add3A_273, %and3A_275 : vector<1024x200xi32>
    %shift_right_logical3A_277 = arith.constant 16 : i32
    %shift_right_logical3A_278 = vector.broadcast %shift_right_logical3A_277 : i32 to vector<1024x200xi32>
    %shift_right_logical3A_279 = arith.shrui %add3A_273, %shift_right_logical3A_278 : vector<1024x200xi32>
    %and3A_280 = arith.constant 1125901033 : i32
    %and3A_281 = arith.constant 65535 : i32
    %and3A_282 = arith.andi %and3A_280, %and3A_281 : i32
    %shift_right_logical3A_283 = arith.constant 1125901033 : i32
    %shift_right_logical3A_284 = arith.constant 16 : i32
    %shift_right_logical3A_285 = arith.shrui %shift_right_logical3A_283, %shift_right_logical3A_284 : i32
    %mul3A_286 = vector.broadcast %and3A_282 : i32 to vector<1024x200xi32>
    %mul3A_287 = arith.muli %and3A_276, %mul3A_286 : vector<1024x200xi32>
    %mul3A_288 = vector.broadcast %shift_right_logical3A_285 : i32 to vector<1024x200xi32>
    %mul3A_289 = arith.muli %and3A_276, %mul3A_288 : vector<1024x200xi32>
    %mul3A_290 = vector.broadcast %and3A_282 : i32 to vector<1024x200xi32>
    %mul3A_291 = arith.muli %shift_right_logical3A_279, %mul3A_290 : vector<1024x200xi32>
    %mul3A_292 = vector.broadcast %shift_right_logical3A_285 : i32 to vector<1024x200xi32>
    %mul3A_293 = arith.muli %shift_right_logical3A_279, %mul3A_292 : vector<1024x200xi32>
    %shift_right_logical3A_294 = arith.constant 16 : i32
    %shift_right_logical3A_295 = vector.broadcast %shift_right_logical3A_294 : i32 to vector<1024x200xi32>
    %shift_right_logical3A_296 = arith.shrui %mul3A_287, %shift_right_logical3A_295 : vector<1024x200xi32>
    %and3A_297 = arith.constant 65535 : i32
    %and3A_298 = vector.broadcast %and3A_297 : i32 to vector<1024x200xi32>
    %and3A_299 = arith.andi %mul3A_289, %and3A_298 : vector<1024x200xi32>
    %add3A_300 = arith.addi %shift_right_logical3A_296, %and3A_299 : vector<1024x200xi32>
    %and3A_301 = arith.constant 65535 : i32
    %and3A_302 = vector.broadcast %and3A_301 : i32 to vector<1024x200xi32>
    %and3A_303 = arith.andi %mul3A_291, %and3A_302 : vector<1024x200xi32>
    %add3A_304 = arith.addi %add3A_300, %and3A_303 : vector<1024x200xi32>
    %shift_right_logical3A_305 = arith.constant 16 : i32
    %shift_right_logical3A_306 = vector.broadcast %shift_right_logical3A_305 : i32 to vector<1024x200xi32>
    %shift_right_logical3A_307 = arith.shrui %mul3A_289, %shift_right_logical3A_306 : vector<1024x200xi32>
    %add3A_308 = arith.addi %mul3A_293, %shift_right_logical3A_307 : vector<1024x200xi32>
    %shift_right_logical3A_309 = arith.constant 16 : i32
    %shift_right_logical3A_310 = vector.broadcast %shift_right_logical3A_309 : i32 to vector<1024x200xi32>
    %shift_right_logical3A_311 = arith.shrui %mul3A_291, %shift_right_logical3A_310 : vector<1024x200xi32>
    %add3A_312 = arith.addi %add3A_308, %shift_right_logical3A_311 : vector<1024x200xi32>
    %shift_right_logical3A_313 = arith.constant 16 : i32
    %shift_right_logical3A_314 = vector.broadcast %shift_right_logical3A_313 : i32 to vector<1024x200xi32>
    %shift_right_logical3A_315 = arith.shrui %add3A_304, %shift_right_logical3A_314 : vector<1024x200xi32>
    %add3A_316 = arith.addi %add3A_312, %shift_right_logical3A_315 : vector<1024x200xi32>
    %shift_right_logical3A_317 = arith.constant 18 : i32
    %shift_right_logical3A_318 = vector.broadcast %shift_right_logical3A_317 : i32 to vector<1024x200xi32>
    %shift_right_logical3A_319 = arith.shrui %add3A_316, %shift_right_logical3A_318 : vector<1024x200xi32>
    %mul3A_320 = arith.constant 999999 : i32
    %mul3A_321 = vector.broadcast %mul3A_320 : i32 to vector<1024x200xi32>
    %mul3A_322 = arith.muli %shift_right_logical3A_319, %mul3A_321 : vector<1024x200xi32>
    %sub3A_323 = arith.subi %add3A_273, %mul3A_322 : vector<1024x200xi32>
    %add3A_324 = arith.constant 1 : i32
    %add3A_325 = vector.broadcast %add3A_324 : i32 to vector<1024x200xi32>
    %add3A_326 = arith.addi %sub3A_323, %add3A_325 : vector<1024x200xi32>
    %ne3A = arith.constant 0 : i32
    %ne3A_327 = vector.broadcast %ne3A : i32 to vector<1024x200xi32>
    %ne3A_328 = arith.cmpi ne, %get3A_1, %ne3A_327 : vector<1024x200xi32>
    %convert_element_type3A_329 = arith.extui %ne3A_328 : vector<1024x200xi1> to vector<1024x200xi32>
    %mul3A_330 = arith.muli %add3A_326, %convert_element_type3A_329 : vector<1024x200xi32>
    %swap3A = arith.constant 0 : index
    %swap3A_331 = arith.constant 0 : index
    %swap3A_332 = vector.load %arg2[%swap3A, %swap3A_331] : memref<1024x200xi32, #tpu.memory_space<vmem>>, vector<1024x200xi32>
    tpu.vector_store %arg2[%swap3A, %swap3A_331], %mul3A_330 {strides = array<i32>} : memref<1024x200xi32, #tpu.memory_space<vmem>>, vector<1024x200xi32>,
    return
  }
  func.func @transform_0(%arg0: i32) -> (i32, i32) {
    %sub3A = arith.subi %arg0, %arg0 : i32
    %c0_i32 = arith.constant 0 : i32
    return %arg0, %sub3A : i32, i32
  }
  func.func @transform_1(%arg0: i32) -> (i32, i32) {
    %sub3A = arith.subi %arg0, %arg0 : i32
    %c0_i32 = arith.constant 0 : i32
    return %arg0, %sub3A : i32, i32
  }
}

</mosaic_0001>

<sc_bundles>
// kernel: kernel.4.cloned.1.call-start
scs
__scs_entry_jumppad:
0x0: {  	(pc) =	sbr.rel $0x88, $3  }
0x1: {  	(tag) =	ssettag $0x0;
	lr =	simm.s32 $0x1  }
0x2: {  	[smem:$0x3FA0] =	sst lr;
	_ =	strace $0xD0000000  }
0x3: {  	_ = 	snop  }
0x4: {  	_ = 	snop  }
0x5: {  	_ = 	snop  }
0x6: {  	_ = 	snop  }
0x7: {  	_ = 	snop  }
__scs_overlays_trampoline_lowered:
0x8: {  	[smem:$0x3FAF] =	sst s0  }
0x9: {  	[smem:$0x3FB0] =	sst s1  }
0xa: {  	[smem:$0x3FB1] =	sst s2  }
0xb: {  	[smem:$0x3FB2] =	sst s3  }
0xc: {  	[smem:$0x3FB3] =	sst s4  }
0xd: {  	[smem:$0x3FB4] =	sst s5  }
0xe: {  	[smem:$0x3FB5] =	sst s6  }
0xf: {  	[smem:$0x3FB6] =	sst s7  }
0x10: {  	[smem:$0x3FB7] =	sst s8  }
0x11: {  	[smem:$0x3FB8] =	sst s9;
	s0 =	simm.s32 @!p0 $0x0  }
0x12: {  	s1 =	sld [smem:$0x3F9E];
	s0 =	simm.s32 @p0 $0x1  }
0x13: {  	[smem:$0x3FB9] =	sst s0;
	s0 =	simm.s32 @!p1 $0x0  }
0x14: {  	s2 =	sld [smem:$0x3F9D];
	s0 =	simm.s32 @p1 $0x1  }
0x15: {  	[smem:$0x3FBA] =	sst s0;
	s0 =	simm.s32 @!p2 $0x0  }
0x16: {  	s3 =	sld [smem:$0x3FDB];
	s0 =	simm.s32 @p2 $0x1  }
0x17: {  	s4 =	simm.s32 $0x1BF5;
	[smem:$0x3FBC] =	sst s0  }
0x18: {  	s0 =	sld [smem:$0x3F9F];
	_ =	swait.ge [sflag:s4], $0x0  }
0x19: {  	s7 =	sld [smem:$0x3FA0]  }
0x1a: {  	s8 =	sadd.s32 $0xFFFFE003, lr  }
0x1b: {  	s9 =	sadd.s32 $0xFFFFFEF7, lr;
	s5 =	simm.s32 $0xFFFFFFFF;
	p2 =	slt.u32 s8, $0xFFFFF086  }
0x1c: {  	p1 =	slt.u32 s9, $0xF7A;
	s5 =	simm.s32 @!p2 $0x0  }
0x1d: {  	s5 =	simm.s32 @p1 $0x1;
	p0 =	seq.s32 s7, s2  }
0x1e: {  	s7 =	smul.u32 @!p0 $0xF7A, s2;
	p2 =	seq.s32 @!p0 s5, $0x0  }
0x1f: {  	s9 =	smul.u32 $0xF7A, s1;
	s8 =	simm.s32 @!p0 $0x1BF5;
	p2 =	por !p2, p0  }
0x20: {  	[sflag:s8] =	ssyncset.s32 @!p0 $0xFFFFF086;
	s6 =	sadd.s32 @!p0 s3, s7;
	s7 =	simm.s32 @!p0 $0x108  }
0x21: {  	s3 =	sadd.s32 s3, s9;
	s6 =	sadd.s32 @!p0 $0x88, s6;
	s7 =	simm.s32 @p2 $0x1082  }
0x22: {  	[simem:s7], [sflag:s8] =	dma.local @!p0 [hbm:s6], $0xF7A  }
0x23: {  	s9 =	sor.u32 $0xD0000000, s2;
	s6 =	simm.s32 $0x108;
	_ =	swait.ge @!p0 [sflag:s8], $0x0  }
0x24: {  	s3 =	sadd.s32 $0x88, s3;
	s6 =	simm.s32 @!p1 $0x1082;
	[sflag:s4] =	ssyncset.s32 $0xFFFFF086  }
0x25: {  	[simem:s6], [sflag:s4] =	dma.local [hbm:s3], $0xF7A  }
0x26: {  	[smem:$0x3FA0] =	sst s1;
	(tag) =	ssettag s2;
	_ =	strace s9  }
0x27: {  	s1 =	sld [smem:$0x3FB0]  }
0x28: {  	s2 =	sld [smem:$0x3FB1]  }
0x29: {  	s4 =	sld [smem:$0x3FB3]  }
0x2a: {  	p0 =	seq.s32 s5, $0x0;
	s5 =	sld [smem:$0x3FB4]  }
0x2b: {  	s6 =	sld [smem:$0x3FB5]  }
0x2c: {  	s7 =	sld [smem:$0x3FB6]  }
0x2d: {  	s3 =	simm.s32 $0x108;
	s8 =	sld [smem:$0x3FB7]  }
0x2e: {  	s3 =	simm.s32 @!p0 $0x1082;
	s9 =	sld [smem:$0x3FB8]  }
0x2f: {  	lr =	sadd.s32 s0, s3;
	s0 =	sld [smem:$0x3FAF]  }
0x30: {  	s3 =	sld [smem:$0x3FB2]  }
0x31: {  	[smem:$0x3FBB] =	sst s10  }
0x32: {  	s10 =	sld [smem:$0x3FB9];
	_ =	sdelay $0x3  }
0x33: {  	p0 =	seq.s32 s10, $0x1;
	s10 =	sld [smem:$0x3FBB];
	_ =	sdelay $0x3  }
0x34: {  	[smem:$0x3FBB] =	sst s10  }
0x35: {  	s10 =	sld [smem:$0x3FBA];
	_ =	sdelay $0x3  }
0x36: {  	p1 =	seq.s32 s10, $0x1;
	s10 =	sld [smem:$0x3FBB];
	_ =	sdelay $0x3  }
0x37: {  	[smem:$0x3FBB] =	sst s10  }
0x38: {  	s10 =	sld [smem:$0x3FBC]  }
0x39: {  	_ = 	snop;
	(pc) =	sbr.ind lr, $3  }
0x3a: {  	_ = 	snop  }
0x3b: {  	_ = 	snop  }
0x3c: {  	p2 =	seq.s32 s10, $0x1;
	s10 =	sld [smem:$0x3FBB]  }
0x3d: {  	_ =	shalt  }
0x3e: {  	_ =	shalt  }
0x3f: {  	_ =	shalt  }
0x40: {  	_ =	shalt  }
0x41: {  	_ =	shalt  }
0x42: {  	_ =	shalt  }
0x43: {  	_ =	shalt  }
0x44: {  	_ =	shalt  }
0x45: {  	_ =	shalt  }
0x46: {  	_ =	shalt  }
0x47: {  	_ =	shalt  }
0x48: {  	_ =	shalt  }
0x49: {  	_ =	shalt  }
0x4a: {  	_ =	shalt  }
0x4b: {  	_ =	shalt  }
0x4c: {  	_ =	shalt  }
0x4d: {  	_ =	shalt  }
0x4e: {  	_ =	shalt  }
0x4f: {  	_ =	shalt  }
0x50: {  	_ =	shalt  }
0x51: {  	_ =	shalt  }
0x52: {  	_ =	shalt  }
0x53: {  	_ =	shalt  }
0x54: {  	_ =	shalt  }
0x55: {  	_ =	shalt  }
0x56: {  	_ =	shalt  }
0x57: {  	_ =	shalt  }
0x58: {  	_ =	shalt  }
0x59: {  	_ =	shalt  }
0x5a: {  	_ =	shalt  }
0x5b: {  	_ =	shalt  }
0x5c: {  	_ =	shalt  }
0x5d: {  	_ =	shalt  }
0x5e: {  	_ =	shalt  }
0x5f: {  	_ =	shalt  }
0x60: {  	_ =	shalt  }
0x61: {  	_ =	shalt  }
0x62: {  	_ =	shalt  }
0x63: {  	_ =	shalt  }
0x64: {  	_ =	shalt  }
0x65: {  	_ =	shalt  }
0x66: {  	_ =	shalt  }
0x67: {  	_ =	shalt  }
0x68: {  	_ =	shalt  }
0x69: {  	_ =	shalt  }
0x6a: {  	_ =	shalt  }
0x6b: {  	_ =	shalt  }
0x6c: {  	_ =	shalt  }
0x6d: {  	_ =	shalt  }
0x6e: {  	_ =	shalt  }
0x6f: {  	_ =	shalt  }
0x70: {  	_ =	shalt  }
0x71: {  	_ =	shalt  }
0x72: {  	_ =	shalt  }
0x73: {  	_ =	shalt  }
0x74: {  	_ =	shalt  }
0x75: {  	_ =	shalt  }
0x76: {  	_ =	shalt  }
0x77: {  	_ =	shalt  }
0x78: {  	_ =	shalt  }
0x79: {  	_ =	shalt  }
0x7a: {  	_ =	shalt  }
0x7b: {  	_ =	shalt  }
0x7c: {  	_ =	shalt  }
0x7d: {  	_ =	shalt  }
0x7e: {  	_ =	shalt  }
0x7f: {  	_ =	shalt  }
0x80: {  	_ =	shalt  }
0x81: {  	_ =	shalt  }
0x82: {  	_ =	shalt  }
0x83: {  	_ =	shalt  }
0x84: {  	_ =	shalt  }
0x85: {  	_ =	shalt  }
0x86: {  	_ =	shalt  }
0x87: {  	_ =	shalt  }
.Lfunc_end0:
.L_simem_size_0:
called_computation_lowered:
.L_overlay_start_0:
0x88: {  	s2 =	sld [smem:$0x3FD9]  }
0x89: {  	s3 =	sld [smem:$0x3FFE];
	_ =	sdelay $0x1  }
0x8a: {  	s1 =	srdreg.scid  }
0x8b: {  	s0 =	sand.u32 $0x1, s1  }
0x8c: {  	s16 =	sshll.u32 s0, $0xA;
	s2 =	sadd.s32 s3, s2  }
0x8d: {  	s2 =	sadd.s32 s2, s16  }
0x8e: {  	[smem:$0x3FC7] =	sst s2  }
0x8f: {  	_ = 	snop  }
0x90: {  	(tm) =	ssettm $0x1  }
0x91: {  	s17 =	sld [smem:$0x3FFB];
	_ =	sdelay $0x3  }
0x92: {  	_ =	strace s17  }
0x93: {  	s2 =	sld [smem:$0x3FFC];
	_ =	sdelay $0x3  }
0x94: {  	_ =	strace s2  }
0x95: {  	s2 =	sld [smem:$0x3FFD];
	_ =	sdelay $0x3  }
0x96: {  	_ =	strace s2  }
0x97: {  	_ =	strace $0x8FFFFFFF  }
0x98: {  	s18 =	sld [smem:$0x3FDB];
	_ =	sdelay $0x1  }
0x99: {  	s19 =	simm.s32 $_scs_section_size  }
0x9a: {  	s4 =	simm.s32 $_size__tile_overlayer_lowered;
	s5 =	simm.s32 $_tile_overlayer_lowered  }
0x9b: {  	s22 =	simm.s32 $0x1BFF;
	s21 =	sshll.u32 s5, $0x1;
	s2 =	sadd.s32 s19, s18  }
0x9c: {  	s6 =	simm.s32 $0x0;
	s20 =	sshll.u32 s4, $0x1;
	s4 =	sadd.s32 s21, s2  }
0x9d: {  	[timem:s6], [sflag:s22] =	dma.local [hbm:s4], s20  }
0x9e: {  	_ =	swait.ge [sflag:s22], s20  }
0x9f: {  	s3 =	ssub.s32 $0x0, s20;
	[sflag:s22] =	ssyncset.done $0x0  }
0xa0: {  	[sflag:s22] =	ssyncadd.s32 s3;
	_ =	sdelay $0x1  }
0xa1: {  	s23 =	simm.s32 $0x1B8B  }
0xa2: {  	_ =	swait.ge [sflag:s23], $0x1  }
0xa3: {  	[sflag:s23] =	ssyncset.done $0x0  }
0xa4: {  	s25 =	simm.s32 $0x1B8E;
	s24 =	sld [smem:$0x3FFE];
	[sflag:s23] =	ssyncadd.s32 $0xFFFFFFFF  }
0xa5: {  	s26 =	simm.s32 $execute0_lowered;
	[smem:$0x3FD2] =	sst s25  }
0xa6: {  	s4 =	sshll.u32 s26, $0x1;
	_ =	strace $0x80000046;
	[dreg:$0x1] =	wrdreg $0xFFFFFFFF  }
0xa7: {  	s28 =	simm.s32 $_size_execute0_lowered;
	s2 =	sadd.s32 s2, s4;
	[dreg:$0x0] =	wrdreg $0x0  }
0xa8: {  	s4 =	sshll.u32 s28, $0x1;
	[dreg:$0x2] =	wrdreg s2  }
0xa9: {  	[dreg:$0x3] =	wrdreg s4  }
0xaa: {  	[dreg:$0x4] =	wrdreg $0xC0  }
0xab: {  	_ =	task [dreg:s6], $0x5FFFF  }
0xac: {  	[dreg:$0x1] =	wrdreg $0xFFFFFFFF  }
0xad: {  	[dreg:$0x0] =	wrdreg $0x60  }
0xae: {  	[dreg:$0x2] =	wrdreg s24  }
0xaf: {  	[dreg:$0x3] =	wrdreg $0x9  }
0xb0: {  	_ =	task.clear_ibuf [dreg:s6], $0x4FFFF;
	_ =	strace $0x90000046  }
0xb1: {  	s29 =	simm.s32 $0x9;
	_ =	strace $0x80000048  }
0xb2: {  	_ =	swait.ge [sflag:s29], $0x1  }
0xb3: {  	[sflag:s29] =	ssyncadd.s32 $0xFFFFFFFF  }
0xb4: {  	_ =	strace $0x90000048  }
0xb5: {  	_ =	sfence  }
0xb6: {  	s30 =	sld [smem:$0x0];
	_ =	sdelay $0x2  }
0xb7: {  	s31 =	sshll.u32 s1, $0xD;
	s1 =	sshrl.u32 s1, $0x2  }
0xb8: {  	s3 =	sand.u32 $0x4000, s31;
	s1 =	sadd.s32 s1, s30  }
0xb9: {  	s0 =	sor.u32 s3, s0;
	s1 =	sshll.u32 s1, $0x11  }
0xba: {  	s0 =	sor.u32 s1, s0  }
0xbb: {  	s0 =	sadd.s32 $0x8F2B, s0  }
0xbc: {  	[sflag:s0] =	ssyncadd.remote.s32 $0x1  }
0xbd: {  	_ =	sfence.sel $0xFFFF  }
0xbe: {  	[dreg:$0x0] =	wrdreg $0xFFFFFFFF;
	(pc) =	sbr.abs _section_cstart, $3  }
0xbf: {  	[dreg:$0x1] =	wrdreg $0xFFFFFFFF  }
0xc0: {  	_ =	task.clear_ibuf [dreg:s6], $0x2FFFF;
	_ =	strace $0x9FFFFFFF  }
0xc1: {  	(tm) =	ssettm $0x7FFFFFFF  }
tec
execute0_lowered:
.L_overlay_start_1:
0x0: {  	(tag) =	ssettag $0x1  }
0x1: {  	s4 =	rddreg [dreg:$0x0]  }
0x2: {  	s0 =	rddreg [dreg:$0x1]  }
0x3: {  	s1 =	simm.s32 $0x0;
	s2 =	srdreg.scid;
	s8 =	simm.s32 $0x4000  }
0x4: {  	s9 =	simm.s32 $0x0;
	[smem:$0x7FF] =	sst s1;
	s5 =	sand.u32 $0x1, s2  }
0x5: {  	s3 =	sadd.s32 $0xC00, s4;
	s2 =	stileid.u32;
	s6 =	ssub.s32 $0x2, s5  }
0x6: {  	s4 =	sadd.s32 $0x20C00, s4;
	_ =	strace $0x80000047;
	s7 =	sshrl.u32 s6, $0x1  }
0x7: {  	s31 =	sshll.u32 s2, $0xD;
	s5 =	sshll.u32 s5, $0xC;
	s6 =	ssub.s32 s6, s7  }
0x8: {  	v0 =	vimm.s32 $0x0;
	s5 =	sor.u32 s5, s31;
	s7 =	simm.s32 $0x1;
	s6 =	smax.u32 s6, $0x1  }
.LBB2_1:
0x9: {  	p1 =	por $0x1, $0x1;
	s10 =	simm.s32 $0x0  }
.LBB2_2:
0xa: {  	v1 =	vimm.s32 $0x0;
	v3 =	vlaneseq.u32  }
0xb: {  	v2 =	vshll.u32 v3, $0x3;
	v4 =	vshll.u32 v1, $0x8  }
0xc: {  	v5 =	vshll.u32 v1, $0x7;
	v4 =	vand.u32 $0xFFFFF800, v4;
	v2 =	vand.u32 $0xFFFFFC00, v2  }
0xd: {  	v2 =	vadd.s32 v4, v2;
	v4 =	vand.u32 $0x380, v5  }
0xe: {  	s10 =	sor.u32 s5, s10;
	v5 =	vand.u32 $0x7F, v3;
	v2 =	vor.u32 v4, v2  }
0xf: {  	s11 =	sadd.s32 s3, s10;
	v2 =	vor.u32 v5, v2  }
0x10: {  	[tilespmem:s1], [sflag:$0x1] =	stream.linear.gather [hbm4b:s11+s1], $0x4000, $0x38;
	v3 =	vadd.s32 $0x10, v3;
	[tilespmem:$0x8000] =	vst v63  }
0x11: {  	_ =	swait.ge [sflag:s7], $0x4000;
	vm0 =	vgt.s32 v3, $0xC7  }
0x12: {  	[sflag:s7] =	ssyncset.done $0x0;
	v4 =	vsel vm0, $0x1, v0;
	v5 =	vsel vm0, $0xFFFFFF38, v0  }
0x13: {  	[sflag:s7] =	ssyncadd.s32 $0xFFFFC000;
	v4 =	vadd.s32 v4, v1;
	v5 =	vadd.s32 v3, v5  }
0x14: {  	v1 =	vshll.u32 v5, $0x3;
	v6 =	vshll.u32 v4, $0x8;
	v3 =	vld.idx.msk [tilespmem:v2+s1+$0x0], $0xffff  }
0x15: {  	v7 =	vshll.u32 v4, $0x7;
	v6 =	vand.u32 $0xFFFFF800, v6;
	v1 =	vand.u32 $0xFFFFFC00, v1  }
0x16: {  	v1 =	vadd.s32 v6, v1;
	v6 =	vand.u32 $0x380, v7  }
0x17: {  	v7 =	vand.u32 $0x7F, v5;
	v1 =	vor.u32 v6, v1  }
0x18: {  	v1 =	vor.u32 v7, v1  }
0x19: {  	p0 =	por p1, p1;
	s11 =	simm.s32 $0x31E;
	v8 =	vand.u32 $0xFFFF, v3;
	v7 =	vshrl.u32 v3, $0x10;
	v6 =	vmul.u32 $0xFF51AFD7, v3  }
.LBB2_3:
0x1a: {  	p1 =	sne.s32 s11, $0x1;
	s11 =	sadd.s32 $0xFFFFFFFF, s11;
	v9 =	vmul.u32 $0x8CCD, v8;
	v8 =	vmul.u32 $0xED55, v8;
	v10 =	vmul.u32 $0xED55, v7  }
0x1b: {  	v7 =	vmul.u32 $0x8CCD, v7  }
0x1c: {  	v11 =	vshrl.u32 v9, $0x10;
	v12 =	vand.u32 $0xFFFF, v8;
	v6 =	vadd.s32 v6, v10  }
0x1d: {  	v8 =	vshrl.u32 v8, $0x10;
	v10 =	vadd.s32 v12, v11;
	v11 =	vand.u32 $0xFFFF, v7  }
0x1e: {  	v7 =	vshrl.u32 v7, $0x10;
	v6 =	vadd.s32 v8, v6;
	v10 =	vadd.s32 v11, v10  }
0x1f: {  	v6 =	vadd.s32 v7, v6;
	v8 =	vshll.u32 v10, $0x10;
	v10 =	vshrl.u32 v10, $0x10  }
0x20: {  	v7 =	vand.u32 $0xFFFF, v9;
	v6 =	vadd.s32 v10, v6  }
0x21: {  	v7 =	vor.u32 v7, v8;
	v8 =	vshrl.u32 v6, $0x1  }
0x22: {  	v6 =	vmul.u32 $0x1A85EC53, v6;
	v7 =	vxor.u32 v7, v8  }
0x23: {  	v8 =	vand.u32 $0xFFFF, v7;
	v9 =	vshrl.u32 v7, $0x10;
	v7 =	vmul.u32 $0xC4CEB9FE, v7  }
0x24: {  	v10 =	vmul.u32 $0xEC53, v8;
	v8 =	vmul.u32 $0x1A85, v8;
	v11 =	vmul.u32 $0xEC53, v9  }
0x25: {  	v9 =	vmul.u32 $0x1A85, v9;
	v6 =	vadd.s32 v6, v7  }
0x26: {  	v7 =	vshrl.u32 v10, $0x10;
	v12 =	vand.u32 $0xFFFF, v8;
	v8 =	vshrl.u32 v8, $0x10  }
0x27: {  	v6 =	vadd.s32 v9, v6;
	v7 =	vadd.s32 v12, v7;
	v12 =	vand.u32 $0xFFFF, v11  }
0x28: {  	v9 =	vshrl.u32 v11, $0x10;
	v6 =	vadd.s32 v8, v6;
	v7 =	vadd.s32 v12, v7  }
0x29: {  	v6 =	vadd.s32 v9, v6;
	v8 =	vshll.u32 v7, $0x10;
	v7 =	vshrl.u32 v7, $0x10  }
0x2a: {  	v6 =	vadd.s32 v7, v6  }
0x2b: {  	v7 =	vshrl.u32 v6, $0x1;
	v9 =	vand.u32 $0xFFFF, v6;
	v6 =	vshrl.u32 v6, $0x10  }
0x2c: {  	v11 =	vmul.u32 $0xD346, v9;
	v9 =	vmul.u32 $0xE, v9;
	v12 =	vmul.u32 $0xD346, v6  }
0x2d: {  	v10 =	vand.u32 $0xFFFF, v10;
	v6 =	vmul.u32 $0xE, v6  }
0x2e: {  	v13 =	vshrl.u32 v11, $0x10;
	v14 =	vand.u32 $0xFFFE, v9;
	v9 =	vshrl.u32 v9, $0x10  }
0x2f: {  	v13 =	vadd.s32 v14, v13;
	v14 =	vand.u32 $0xFFFE, v12;
	v6 =	vadd.s32 v6, v9  }
0x30: {  	v8 =	vor.u32 v10, v8;
	v9 =	vadd.s32 v14, v13  }
0x31: {  	v10 =	vand.u32 $0xFFFE, v11;
	v11 =	vshll.u32 v9, $0x10;
	v9 =	vshrl.u32 v9, $0x10  }
0x32: {  	v7 =	vxor.u32 v8, v7;
	v8 =	vor.u32 v10, v11  }
0x33: {  	v10 =	vshrl.u32 v12, $0x10;
	v7 =	vadd.s32 v7, v8  }
0x34: {  	v6 =	vadd.s32 v10, v6;
	vm0 =	vlt.u32 v7, v8  }
0x35: {  	v6 =	vadd.s32 v9, v6;
	v8 =	vsel vm0, $0x1, v0  }
0x36: {  	v6 =	vadd.s32 v8, v6  }
0x37: {  	v8 =	vand.u32 $0xFFFF, v6;
	v6 =	vshrl.u32 v6, $0x10  }
0x38: {  	v9 =	vmul.u32 $0xD346, v8;
	v8 =	vmul.u32 $0xE, v8;
	v10 =	vmul.u32 $0xD346, v6  }
0x39: {  	v6 =	vmul.u32 $0xE, v6  }
0x3a: {  	v11 =	vshrl.u32 v9, $0x10;
	v12 =	vand.u32 $0xFFFE, v8;
	v8 =	vshrl.u32 v8, $0x10  }
0x3b: {  	v11 =	vadd.s32 v12, v11;
	v12 =	vand.u32 $0xFFFE, v10;
	v6 =	vadd.s32 v6, v8  }
0x3c: {  	v8 =	vadd.s32 v12, v11  }
0x3d: {  	v9 =	vand.u32 $0xFFFE, v9;
	v11 =	vshll.u32 v8, $0x10;
	v8 =	vshrl.u32 v8, $0x10  }
0x3e: {  	v10 =	vshrl.u32 v10, $0x10;
	v9 =	vor.u32 v9, v11  }
0x3f: {  	v6 =	vadd.s32 v10, v6;
	v7 =	vadd.s32 v7, v9  }
0x40: {  	vm0 =	vlt.u32 v7, v9;
	v9 =	vand.u32 $0xFFFF, v7;
	v10 =	vshrl.u32 v7, $0x10  }
0x41: {  	v11 =	vmul.u32 $0xE2E9, v9;
	v9 =	vmul.u32 $0x431B, v9;
	v12 =	vmul.u32 $0x431B, v10  }
0x42: {  	v6 =	vadd.s32 v8, v6;
	v8 =	vsel vm0, $0x1, v0;
	v10 =	vmul.u32 $0xE2E9, v10  }
0x43: {  	v11 =	vshrl.u32 v11, $0x10;
	v13 =	vand.u32 $0xFFFF, v9;
	v9 =	vshrl.u32 v9, $0x10  }
0x44: {  	v11 =	vadd.s32 v13, v11;
	v13 =	vand.u32 $0xFFFF, v10;
	v9 =	vadd.s32 v12, v9  }
0x45: {  	v6 =	vadd.s32 v8, v6;
	v10 =	vshrl.u32 v10, $0x10;
	v8 =	vadd.s32 v13, v11  }
0x46: {  	v6 =	vmul.u32 $0xED346, v6;
	v9 =	vadd.s32 v10, v9;
	v8 =	vshrl.u32 v8, $0x10  }
0x47: {  	v8 =	vadd.s32 v8, v9  }
0x48: {  	v6 =	vadd.s32 v7, v6;
	v8 =	vshrl.u32 v8, $0x12  }
0x49: {  	v7 =	vmul.u32 $0xFFF0BDC1, v8;
	_ =	sdelay $0x1  }
0x4a: {  	v6 =	vadd.s32 v7, v6  }
0x4b: {  	v7 =	vand.u32 $0xFFFF, v6;
	v8 =	vshrl.u32 v6, $0x10  }
0x4c: {  	v9 =	vmul.u32 $0xE2E9, v7;
	v7 =	vmul.u32 $0x431B, v7;
	v10 =	vmul.u32 $0xE2E9, v8  }
0x4d: {  	v8 =	vmul.u32 $0x431B, v8  }
0x4e: {  	v9 =	vshrl.u32 v9, $0x10;
	v11 =	vand.u32 $0xFFFF, v7;
	v7 =	vshrl.u32 v7, $0x10  }
0x4f: {  	v9 =	vadd.s32 v11, v9;
	v11 =	vand.u32 $0xFFFF, v10;
	v7 =	vadd.s32 v8, v7  }
0x50: {  	v8 =	vadd.s32 v11, v9;
	v9 =	vshrl.u32 v10, $0x10  }
0x51: {  	v5 =	vadd.s32 $0x10, v5;
	v7 =	vadd.s32 v9, v7;
	v8 =	vshrl.u32 v8, $0x10  }
0x52: {  	vm0 =	vgt.s32 v5, $0xC7;
	v7 =	vadd.s32 v8, v7  }
0x53: {  	v8 =	vsel vm0, $0x1, v0;
	v7 =	vshrl.u32 v7, $0x12  }
0x54: {  	v7 =	vmul.u32 $0xFFF0BDC1, v7  }
0x55: {  	v4 =	vadd.s32 v8, v4;
	v8 =	vsel vm0, $0xFFFFFF38, v0  }
0x56: {  	v6 =	vadd.s32 v7, v6  }
0x57: {  	vm0 =	veq.s32 v3, $0x0;
	v5 =	vadd.s32 v5, v8;
	v6 =	vadd.s32 $0x1, v6  }
0x58: {  	v3 =	vshll.u32 v5, $0x3;
	v6 =	vsel vm0, $0x0, v6  }
0x59: {  	v7 =	vshll.u32 v4, $0x8;
	[tilespmem:v2+s8+$0x0] =	vst.idx.msk $0xffff, v6;
	v2 =	vmov v1  }
0x5a: {  	v8 =	vshll.u32 v4, $0x7;
	v6 =	vand.u32 $0xFFFFF800, v7;
	v7 =	vand.u32 $0xFFFFFC00, v3;
	v3 =	vld.idx.msk [tilespmem:v1+s1+$0x0], $0xffff  }
0x5b: {  	v1 =	vadd.s32 v6, v7;
	v6 =	vand.u32 $0x380, v8  }
.Ltmp0:
0x5c: {  	v7 =	vand.u32 $0x7F, v5;
	v1 =	vor.u32 v6, v1;
	(pc) =	sbr.rel @p1 .LBB2_3-.Ltmp0, $2  }
0x5d: {  	v1 =	vor.u32 v7, v1;
	_ =	sdelay $0x2  }
0x5e: {  	v8 =	vand.u32 $0xFFFF, v3;
	v7 =	vshrl.u32 v3, $0x10;
	v6 =	vmul.u32 $0xFF51AFD7, v3  }
0x5f: {  	v4 =	vmul.u32 $0x8CCD, v8;
	v5 =	vmul.u32 $0xED55, v8;
	v62 =	vmul.u32 $0xED55, v7  }
0x60: {  	v63 =	vmul.u32 $0x8CCD, v7  }
0x61: {  	v9 =	vshrl.u32 v4, $0x10;
	v10 =	vand.u32 $0xFFFF, v5;
	v6 =	vadd.s32 v6, v62  }
0x62: {  	v13 =	vand.u32 $0xFFFF, v63;
	v5 =	vshrl.u32 v5, $0x10;
	v12 =	vadd.s32 v10, v9  }
0x63: {  	v7 =	vshrl.u32 v63, $0x10;
	v5 =	vadd.s32 v5, v6;
	v8 =	vadd.s32 v13, v12  }
0x64: {  	v5 =	vadd.s32 v7, v5;
	v14 =	vshrl.u32 v8, $0x10  }
0x65: {  	v4 =	vand.u32 $0xFFFF, v4;
	v15 =	vshll.u32 v8, $0x10;
	v5 =	vadd.s32 v14, v5  }
0x66: {  	v4 =	vor.u32 v4, v15;
	v6 =	vshrl.u32 v5, $0x1  }
0x67: {  	v4 =	vxor.u32 v4, v6  }
0x68: {  	v5 =	vmul.u32 $0x1A85EC53, v5;
	v6 =	vand.u32 $0xFFFF, v4;
	v16 =	vmul.u32 $0xC4CEB9FE, v4  }
0x69: {  	v4 =	vshrl.u32 v4, $0x10;
	v17 =	vmul.u32 $0xEC53, v6;
	v6 =	vmul.u32 $0x1A85, v6  }
0x6a: {  	v18 =	vmul.u32 $0xEC53, v4;
	v4 =	vmul.u32 $0x1A85, v4;
	v5 =	vadd.s32 v5, v16  }
0x6b: {  	v19 =	vshrl.u32 v17, $0x10;
	v20 =	vand.u32 $0xFFFF, v6;
	v6 =	vshrl.u32 v6, $0x10  }
0x6c: {  	v21 =	vand.u32 $0xFFFF, v18;
	v4 =	vadd.s32 v4, v5;
	v7 =	vadd.s32 v20, v19  }
0x6d: {  	v23 =	vshrl.u32 v18, $0x10;
	v4 =	vadd.s32 v6, v4;
	v22 =	vadd.s32 v21, v7  }
0x6e: {  	v4 =	vadd.s32 v23, v4;
	v24 =	vshrl.u32 v22, $0x10  }
0x6f: {  	v4 =	vadd.s32 v24, v4  }
0x70: {  	v6 =	vand.u32 $0xFFFF, v4  }
0x71: {  	v25 =	vshrl.u32 v4, $0x10;
	v26 =	vmul.u32 $0xD346, v6;
	v6 =	vmul.u32 $0xE, v6  }
0x72: {  	v27 =	vmul.u32 $0xD346, v25  }
0x73: {  	v8 =	vand.u32 $0xFFFF, v17;
	v11 =	vshrl.u32 v26, $0x10;
	v12 =	vand.u32 $0xFFFE, v6  }
0x74: {  	v5 =	vshll.u32 v22, $0x10;
	v28 =	vand.u32 $0xFFFE, v27;
	v11 =	vadd.s32 v12, v11  }
0x75: {  	v5 =	vor.u32 v8, v5;
	v4 =	vshrl.u32 v4, $0x1;
	v11 =	vadd.s32 v28, v11  }
0x76: {  	v7 =	vmul.u32 $0xE, v25;
	v29 =	vand.u32 $0xFFFE, v26;
	v30 =	vshll.u32 v11, $0x10  }
0x77: {  	v4 =	vxor.u32 v5, v4;
	v6 =	vshrl.u32 v6, $0x10;
	v31 =	vor.u32 v29, v30  }
0x78: {  	v32 =	vshrl.u32 v27, $0x10;
	v6 =	vadd.s32 v7, v6;
	v4 =	vadd.s32 v4, v31  }
0x79: {  	v6 =	vadd.s32 v32, v6;
	v33 =	vshrl.u32 v11, $0x10;
	vm0 =	vlt.u32 v4, v31  }
0x7a: {  	v34 =	vadd.s32 v33, v6;
	v35 =	vsel vm0, $0x1, v0  }
0x7b: {  	v5 =	vadd.s32 v35, v34  }
0x7c: {  	v6 =	vand.u32 $0xFFFF, v5  }
0x7d: {  	v5 =	vshrl.u32 v5, $0x10;
	v36 =	vmul.u32 $0xD346, v6;
	v6 =	vmul.u32 $0xE, v6  }
0x7e: {  	v37 =	vmul.u32 $0xD346, v5  }
0x7f: {  	v38 =	vshrl.u32 v36, $0x10;
	v39 =	vand.u32 $0xFFFE, v6  }
0x80: {  	v40 =	vand.u32 $0xFFFE, v37;
	v9 =	vadd.s32 v39, v38  }
0x81: {  	v9 =	vadd.s32 v40, v9  }
0x82: {  	v5 =	vmul.u32 $0xE, v5;
	v7 =	vand.u32 $0xFFFE, v36;
	v10 =	vshll.u32 v9, $0x10  }
0x83: {  	v6 =	vshrl.u32 v6, $0x10;
	v7 =	vor.u32 v7, v10  }
0x84: {  	v41 =	vshrl.u32 v37, $0x10;
	v5 =	vadd.s32 v5, v6;
	v4 =	vadd.s32 v4, v7  }
0x85: {  	v5 =	vadd.s32 v41, v5;
	v42 =	vshrl.u32 v9, $0x10;
	v43 =	vand.u32 $0xFFFF, v4  }
0x86: {  	v44 =	vshrl.u32 v4, $0x10;
	v45 =	vmul.u32 $0xE2E9, v43;
	v6 =	vmul.u32 $0x431B, v43  }
0x87: {  	v5 =	vadd.s32 v42, v5;
	vm11 =	vlt.u32 v4, v7;
	v9 =	vmul.u32 $0xE2E9, v44  }
0x88: {  	v46 =	vmul.u32 $0x431B, v44;
	v47 =	vshrl.u32 v45, $0x10;
	v48 =	vand.u32 $0xFFFF, v6  }
0x89: {  	v6 =	vshrl.u32 v6, $0x10;
	v49 =	vand.u32 $0xFFFF, v9;
	v8 =	vadd.s32 v48, v47  }
0x8a: {  	v51 =	vshrl.u32 v9, $0x10;
	v6 =	vadd.s32 v46, v6;
	v50 =	vadd.s32 v49, v8  }
0x8b: {  	v52 =	vsel vm11, $0x1, v0;
	v6 =	vadd.s32 v51, v6;
	v7 =	vshrl.u32 v50, $0x10  }
0x8c: {  	v5 =	vadd.s32 v52, v5;
	v6 =	vadd.s32 v7, v6  }
0x8d: {  	v5 =	vmul.u32 $0xED346, v5;
	v6 =	vshrl.u32 v6, $0x12  }
0x8e: {  	v6 =	vmul.u32 $0xFFF0BDC1, v6  }
0x8f: {  	v4 =	vadd.s32 v4, v5  }
0x90: {  	v4 =	vadd.s32 v6, v4  }
0x91: {  	v53 =	vand.u32 $0xFFFF, v4  }
0x92: {  	v6 =	vshrl.u32 v4, $0x10;
	v54 =	vmul.u32 $0xE2E9, v53;
	v5 =	vmul.u32 $0x431B, v53  }
0x93: {  	v55 =	vmul.u32 $0xE2E9, v6  }
0x94: {  	v6 =	vmul.u32 $0x431B, v6;
	v7 =	vshrl.u32 v54, $0x10;
	v56 =	vand.u32 $0xFFFF, v5  }
0x95: {  	v5 =	vshrl.u32 v5, $0x10;
	v57 =	vand.u32 $0xFFFF, v55;
	v7 =	vadd.s32 v56, v7  }
0x96: {  	v59 =	vshrl.u32 v55, $0x10;
	v5 =	vadd.s32 v6, v5;
	v58 =	vadd.s32 v57, v7  }
0x97: {  	v5 =	vadd.s32 v59, v5;
	v6 =	vshrl.u32 v58, $0x10  }
0x98: {  	v5 =	vadd.s32 v6, v5  }
0x99: {  	v5 =	vshrl.u32 v5, $0x12  }
0x9a: {  	v5 =	vmul.u32 $0xFFF0BDC1, v5;
	_ =	sdelay $0x1  }
0x9b: {  	v4 =	vadd.s32 v5, v4  }
0x9c: {  	vm12 =	veq.s32 v3, $0x0;
	v4 =	vadd.s32 $0x1, v4  }
0x9d: {  	v3 =	vsel vm12, $0x0, v4  }
0x9e: {  	[tilespmem:v2+s8+$0x0] =	vst.idx.msk $0xffff, v3  }
0x9f: {  	v2 =	vld.idx.msk [tilespmem:v1+s1+$0x0], $0xffff;
	_ =	sdelay $0x4  }
0xa0: {  	v3 =	vand.u32 $0xFFFF, v2;
	v60 =	vshrl.u32 v2, $0x10;
	v61 =	vmul.u32 $0xFF51AFD7, v2  }
0xa1: {  	v62 =	vmul.u32 $0x8CCD, v3;
	v3 =	vmul.u32 $0xED55, v3;
	v63 =	vmul.u32 $0xED55, v60  }
0xa2: {  	v4 =	vmul.u32 $0x8CCD, v60  }
0xa3: {  	v12 =	vshrl.u32 v62, $0x10;
	v13 =	vand.u32 $0xFFFF, v3;
	v5 =	vadd.s32 v61, v63  }
0xa4: {  	v15 =	vand.u32 $0xFFFF, v4;
	v3 =	vshrl.u32 v3, $0x10;
	v14 =	vadd.s32 v13, v12  }
0xa5: {  	v4 =	vshrl.u32 v4, $0x10;
	v3 =	vadd.s32 v3, v5;
	v7 =	vadd.s32 v15, v14  }
0xa6: {  	v3 =	vadd.s32 v4, v3;
	v16 =	vshrl.u32 v7, $0x10  }
0xa7: {  	v6 =	vand.u32 $0xFFFF, v62;
	v17 =	vshll.u32 v7, $0x10;
	v3 =	vadd.s32 v16, v3  }
0xa8: {  	v4 =	vor.u32 v6, v17;
	v5 =	vshrl.u32 v3, $0x1  }
0xa9: {  	v4 =	vxor.u32 v4, v5  }
0xaa: {  	v3 =	vmul.u32 $0x1A85EC53, v3;
	v5 =	vand.u32 $0xFFFF, v4;
	v18 =	vmul.u32 $0xC4CEB9FE, v4  }
0xab: {  	v4 =	vshrl.u32 v4, $0x10;
	v19 =	vmul.u32 $0xEC53, v5;
	v5 =	vmul.u32 $0x1A85, v5  }
0xac: {  	v20 =	vmul.u32 $0xEC53, v4;
	v4 =	vmul.u32 $0x1A85, v4;
	v3 =	vadd.s32 v3, v18  }
0xad: {  	v21 =	vshrl.u32 v19, $0x10;
	v22 =	vand.u32 $0xFFFF, v5;
	v5 =	vshrl.u32 v5, $0x10  }
0xae: {  	v23 =	vand.u32 $0xFFFF, v20;
	v3 =	vadd.s32 v4, v3;
	v6 =	vadd.s32 v22, v21  }
0xaf: {  	v25 =	vshrl.u32 v20, $0x10;
	v3 =	vadd.s32 v5, v3;
	v24 =	vadd.s32 v23, v6  }
0xb0: {  	v3 =	vadd.s32 v25, v3;
	v26 =	vshrl.u32 v24, $0x10  }
0xb1: {  	v3 =	vadd.s32 v26, v3  }
0xb2: {  	v5 =	vand.u32 $0xFFFF, v3  }
0xb3: {  	v27 =	vshrl.u32 v3, $0x10;
	v28 =	vmul.u32 $0xD346, v5;
	v5 =	vmul.u32 $0xE, v5  }
0xb4: {  	v29 =	vmul.u32 $0xD346, v27  }
0xb5: {  	v7 =	vand.u32 $0xFFFF, v19;
	v30 =	vshrl.u32 v28, $0x10;
	v31 =	vand.u32 $0xFFFE, v5  }
0xb6: {  	v4 =	vshll.u32 v24, $0x10;
	v32 =	vand.u32 $0xFFFE, v29;
	v10 =	vadd.s32 v31, v30  }
0xb7: {  	v4 =	vor.u32 v7, v4;
	v3 =	vshrl.u32 v3, $0x1;
	v10 =	vadd.s32 v32, v10  }
0xb8: {  	v6 =	vmul.u32 $0xE, v27;
	v33 =	vand.u32 $0xFFFE, v28;
	v34 =	vshll.u32 v10, $0x10  }
0xb9: {  	v3 =	vxor.u32 v4, v3;
	v5 =	vshrl.u32 v5, $0x10;
	v35 =	vor.u32 v33, v34  }
0xba: {  	v36 =	vshrl.u32 v29, $0x10;
	v5 =	vadd.s32 v6, v5;
	v3 =	vadd.s32 v3, v35  }
0xbb: {  	v5 =	vadd.s32 v36, v5;
	v37 =	vshrl.u32 v10, $0x10;
	vm13 =	vlt.u32 v3, v35  }
0xbc: {  	v38 =	vadd.s32 v37, v5;
	v39 =	vsel vm13, $0x1, v0  }
0xbd: {  	v4 =	vadd.s32 v39, v38  }
0xbe: {  	v5 =	vand.u32 $0xFFFF, v4  }
0xbf: {  	v4 =	vshrl.u32 v4, $0x10;
	v40 =	vmul.u32 $0xD346, v5;
	v5 =	vmul.u32 $0xE, v5  }
0xc0: {  	v41 =	vmul.u32 $0xD346, v4  }
0xc1: {  	v42 =	vshrl.u32 v40, $0x10;
	v43 =	vand.u32 $0xFFFE, v5  }
0xc2: {  	v44 =	vand.u32 $0xFFFE, v41;
	v8 =	vadd.s32 v43, v42  }
0xc3: {  	v8 =	vadd.s32 v44, v8  }
0xc4: {  	v4 =	vmul.u32 $0xE, v4;
	v6 =	vand.u32 $0xFFFE, v40;
	v9 =	vshll.u32 v8, $0x10  }
0xc5: {  	v5 =	vshrl.u32 v5, $0x10;
	v6 =	vor.u32 v6, v9  }
0xc6: {  	v45 =	vshrl.u32 v41, $0x10;
	v4 =	vadd.s32 v4, v5;
	v3 =	vadd.s32 v3, v6  }
0xc7: {  	v4 =	vadd.s32 v45, v4;
	v46 =	vshrl.u32 v8, $0x10;
	v47 =	vand.u32 $0xFFFF, v3  }
0xc8: {  	v48 =	vshrl.u32 v3, $0x10;
	v49 =	vmul.u32 $0xE2E9, v47;
	v5 =	vmul.u32 $0x431B, v47  }
0xc9: {  	v4 =	vadd.s32 v46, v4;
	vm14 =	vlt.u32 v3, v6;
	v8 =	vmul.u32 $0xE2E9, v48  }
0xca: {  	v50 =	vmul.u32 $0x431B, v48;
	v51 =	vshrl.u32 v49, $0x10;
	v52 =	vand.u32 $0xFFFF, v5  }
0xcb: {  	v5 =	vshrl.u32 v5, $0x10;
	v53 =	vand.u32 $0xFFFF, v8;
	v7 =	vadd.s32 v52, v51  }
0xcc: {  	v55 =	vshrl.u32 v8, $0x10;
	v5 =	vadd.s32 v50, v5;
	v54 =	vadd.s32 v53, v7  }
0xcd: {  	v56 =	vsel vm14, $0x1, v0;
	v5 =	vadd.s32 v55, v5;
	v6 =	vshrl.u32 v54, $0x10  }
0xce: {  	v4 =	vadd.s32 v56, v4;
	v5 =	vadd.s32 v6, v5  }
0xcf: {  	v4 =	vmul.u32 $0xED346, v4;
	v5 =	vshrl.u32 v5, $0x12  }
0xd0: {  	v5 =	vmul.u32 $0xFFF0BDC1, v5  }
0xd1: {  	v3 =	vadd.s32 v3, v4  }
0xd2: {  	v3 =	vadd.s32 v5, v3  }
0xd3: {  	v57 =	vand.u32 $0xFFFF, v3  }
0xd4: {  	v5 =	vshrl.u32 v3, $0x10;
	v58 =	vmul.u32 $0xE2E9, v57;
	v4 =	vmul.u32 $0x431B, v57  }
0xd5: {  	v59 =	vmul.u32 $0xE2E9, v5  }
0xd6: {  	v5 =	vmul.u32 $0x431B, v5;
	v6 =	vshrl.u32 v58, $0x10;
	v60 =	vand.u32 $0xFFFF, v4  }
0xd7: {  	v4 =	vshrl.u32 v4, $0x10;
	v61 =	vand.u32 $0xFFFF, v59;
	v6 =	vadd.s32 v60, v6  }
0xd8: {  	v63 =	vshrl.u32 v59, $0x10;
	v4 =	vadd.s32 v5, v4;
	v62 =	vadd.s32 v61, v6  }
0xd9: {  	v4 =	vadd.s32 v63, v4;
	v5 =	vshrl.u32 v62, $0x10  }
0xda: {  	v4 =	vadd.s32 v5, v4  }
0xdb: {  	v4 =	vshrl.u32 v4, $0x12  }
0xdc: {  	v4 =	vmul.u32 $0xFFF0BDC1, v4;
	_ =	sdelay $0x1  }
0xdd: {  	v3 =	vadd.s32 v4, v3  }
0xde: {  	vm15 =	veq.s32 v2, $0x0;
	v3 =	vadd.s32 $0x1, v3  }
0xdf: {  	v2 =	vsel vm15, $0x0, v3  }
.Ltmp1:
0xe0: {  	s10 =	sadd.s32 s4, s10;
	[tilespmem:v1+s8+$0x0] =	vst.idx.msk $0xffff, v2;
	(pc) =	sbr.rel @p0 .LBB2_2-.Ltmp1, $4  }
0xe1: {  	[hbm4b:s10+s1] =	stream.linear.scatter [tilespmem:s8], [sflag:$0x1], $0x4000, $0x38;
	[tilespmem:$0x8000] =	vst v63  }
0xe2: {  	_ =	swait.ge [sflag:s7], $0x4000  }
0xe3: {  	[sflag:s7] =	ssyncset.done $0x0  }
0xe4: {  	p1 =	por $0x0, $0x0;
	s10 =	simm.s32 $0x800;
	[sflag:s7] =	ssyncadd.s32 $0xFFFFC000  }
0xe5: {  	s9 =	sadd.s32 $0x1, s9  }
0xe6: {  	p0 =	sne.s32 s9, s6  }
.Ltmp2:
0xe7: {  	_ = 	snop;
	(pc) =	sbr.rel @p0 .LBB2_1-.Ltmp2, $1  }
0xe8: {  	_ =	sdelay $0x3  }
0xe9: {  	_ =	sfence.sel $0x180000  }
0xea: {  	[bflag:$0x0] =	sbarrier.arrive $0xFFFF  }
0xeb: {  	p0 =	sne.s32 s2, $0x0;
	_ =	strace $0x90000047  }
0xec: {  	s0 =	sadd.s32 @!p0 $0x100000, s0;
	[bflag:$0x2] =	sbarrier.arrive $0xFFFF  }
0xed: {  	[sflag:s0] =	ssyncadd.tile.s32 @!p0 $0x1;
	_ =	shalt  }
.Lfunc_end2:
_tile_overlayer_lowered:
.L_overlay_start_2:
0xee: {  	(tag) =	ssettag $0x2  }
0xef: {  	s0 =	rddreg [dreg:$0x0];
	s2 =	stileid.u32  }
0xf0: {  	s1 =	rddreg [dreg:$0x1];
	p0 =	sne.s32 s2, $0x0  }
0xf1: {  	s3 =	rddreg [dreg:$0x2];
	[bflag:$0x3] =	sbarrier.arrive $0xFFFF;
	s2 =	simm.s32 @!p0 $0x1C01  }
0xf2: {  	[timem:s3], [sflag:s2] =	dma.local @!p0 [hbm:s0], s1  }
0xf3: {  	s0 =	simm.s32 @!p0 $0x1  }
0xf4: {  	_ =	swait.ge @!p0 [sflag:s0], s1  }
0xf5: {  	s1 =	ssub.s32 @!p0 $0x0, s1;
	[sflag:s0] =	ssyncset.done @!p0 $0x0  }
0xf6: {  	[sflag:s0] =	ssyncadd.s32 @!p0 s1  }
0xf7: {  	[bflag:$0x3] =	sbarrier.arrive $0xFFFF  }
0xf8: {  	_ =	shalt  }

</sc_bundles>
